<compile_context>
chip_gen: v7x
topology: tpu7x:2x2x1
jax: 0.10.2.dev20260603
libtpu: 0.0.44.dev20260713+nightly
codegen_flags: <defaults>
</compile_context>

<pallas_src>
import math

import jax
import jax.numpy as jnp
import numpy as np
from jax import lax
from jax.experimental import pallas as pl
from jax.experimental.pallas import tpu as pltpu
from jax.experimental.pallas import tpu_sc as plsc

_N = 10000
_E = 160000
_BE = 1280
_NG = _E // _BE
_NW = 32
_NPW = 5120
_EPAD = _NW * _NPW
_NBLK = _EPAD // _BE
_IT = _NPW // 16
_BPW = _NPW // _BE
_NBASIS = 20
_CUT = 5.0
_BN = 1000

_SQ3 = math.sqrt(3.0)
_SQ5 = math.sqrt(5.0)
_SQ15 = math.sqrt(15.0)


def _make_cmat():
    c = np.zeros((32, 512), np.float32)
    c[0, 0:128] = 1.0
    for m in range(64):
        for j in range(3):
            c[1 + j, 128 + 3 * m + j] = 1.0
    for m in range(32):
        for j in range(5):
            c[4 + j, 320 + 5 * m + j] = 1.0
    for n in range(_NBASIS):
        c[9 + n, 480 + n] = 1.0
    c[29, 500] = 1.0
    return c


_CMAT = _make_cmat()



def _sc_vec_body(px_h, py_h, pz_h, src_h, dst_h, sx_h, sy_h, sz_h, out_h,
                 px, py, pz, src_v, dst_v, sxv, syv, szv, ox, oy, oz):
    c = lax.axis_index("c")
    s = lax.axis_index("s")
    wid = s * 2 + c
    base = wid * _NPW
    pltpu.sync_copy(px_h, px)
    pltpu.sync_copy(py_h, py)
    pltpu.sync_copy(pz_h, pz)
    pltpu.sync_copy(src_h.at[pl.ds(base, _NPW)], src_v)
    pltpu.sync_copy(dst_h.at[pl.ds(base, _NPW)], dst_v)
    pltpu.sync_copy(sx_h.at[pl.ds(base, _NPW)], sxv)
    pltpu.sync_copy(sy_h.at[pl.ds(base, _NPW)], syv)
    pltpu.sync_copy(sz_h.at[pl.ds(base, _NPW)], szv)

    def body(i, carry):
        sl = pl.ds(i * 16, 16)
        a = src_v[sl]
        b = dst_v[sl]
        ox[sl] = plsc.load_gather(px, [a]) - plsc.load_gather(px, [b]) - sxv[sl]
        oy[sl] = plsc.load_gather(py, [a]) - plsc.load_gather(py, [b]) - syv[sl]
        oz[sl] = plsc.load_gather(pz, [a]) - plsc.load_gather(pz, [b]) - szv[sl]
        return carry

    lax.fori_loop(0, _IT, body, 0)
    for j in range(_BPW):
        blk = wid * _BPW + j
        pltpu.sync_copy(ox.at[pl.ds(j * _BE, _BE)], out_h.at[blk, 0])
        pltpu.sync_copy(oy.at[pl.ds(j * _BE, _BE)], out_h.at[blk, 1])
        pltpu.sync_copy(oz.at[pl.ds(j * _BE, _BE)], out_h.at[blk, 2])


def _sc_gather_vec(pos, edge_index, shifts):
    posT = pos.T
    pad = _EPAD - _E
    src = jnp.pad(edge_index[0], (0, pad))
    dst = jnp.pad(edge_index[1], (0, pad))
    shT = jnp.pad(shifts, ((0, pad), (0, 0)), constant_values=0.5).T
    mesh = plsc.VectorSubcoreMesh(core_axis_name="c", subcore_axis_name="s")
    f = pl.kernel(
        _sc_vec_body,
        mesh=mesh,
        compiler_params=pltpu.CompilerParams(needs_layout_passes=False),
        out_type=jax.ShapeDtypeStruct((_NBLK, 8, _BE), jnp.float32),
        scratch_types=(
            [pltpu.VMEM((_N,), jnp.float32)] * 3
            + [pltpu.VMEM((_NPW,), jnp.int32)] * 2
            + [pltpu.VMEM((_NPW,), jnp.float32)] * 3
            + [pltpu.VMEM((_NPW,), jnp.float32)] * 3
        ),
    )
    return f(posT[0], posT[1], posT[2], src, dst, shT[0], shT[1], shT[2])



def _edge_body(vec_ref, cmat_ref, rshp_ref, aux_ref):
    v = vec_ref[0]
    vx = v[0:1, :]
    vy = v[1:2, :]
    vz = v[2:3, :]
    d2 = vx * vx + vy * vy + vz * vz
    d = jnp.sqrt(d2)
    invd = 1.0 / d
    x_ = vy * invd
    y_ = vz * invd
    z_ = vx * invd
    rows = [
        jnp.ones((1, _BE), jnp.float32),
        _SQ3 * x_,
        _SQ3 * y_,
        _SQ3 * z_,
        _SQ15 * x_ * z_,
        _SQ15 * x_ * y_,
        _SQ5 * (y_ * y_ - 0.5 * (x_ * x_ + z_ * z_)),
        _SQ15 * y_ * z_,
        (_SQ15 * 0.5) * (z_ * z_ - x_ * x_),
    ]
    theta = d * (math.pi / _CUT)
    s1 = jnp.sin(theta)
    c1 = jnp.cos(theta)
    c2 = c1 + c1
    kb = math.sqrt(2.0 / _CUT)
    rbf_rows = []
    sn_m1 = jnp.zeros((1, _BE), jnp.float32)
    sn = s1
    for _ in range(_NBASIS):
        rbf_rows.append((kb * sn) * invd)
        sn, sn_m1 = c2 * sn - sn_m1, sn
    fc = 0.5 * (c1 + 1.0) * (d < _CUT).astype(jnp.float32)
    sm = jnp.concatenate(
        rows + rbf_rows + [fc, jnp.zeros((2, _BE), jnp.float32)], axis=0
    )
    out = lax.dot_general(
        sm, cmat_ref[...], (((0,), (0,)), ((), ())),
        preferred_element_type=jnp.float32,
    )
    rshp_ref[...] = out
    aux_ref[:, 0:32] = out[:, 480:512]


def _edge_compute(vec3d, cmat):
    return pl.pallas_call(
        _edge_body,
        grid=(_NG,),
        in_specs=[
            pl.BlockSpec((1, 8, _BE), lambda b: (b, 0, 0)),
            pl.BlockSpec((32, 512), lambda b: (0, 0)),
        ],
        out_specs=[
            pl.BlockSpec((_BE, 512), lambda b: (b, 0)),
            pl.BlockSpec((_BE, 128), lambda b: (b, 0)),
        ],
        out_shape=[
            jax.ShapeDtypeStruct((_E, 512), jnp.float32),
            jax.ShapeDtypeStruct((_E, 128), jnp.float32),
        ],
    )(vec3d, cmat)



def _xsc_body(atno_ref, emb_ref, w_ref, b_ref, out_ref):
    a = atno_ref[...]
    ids = lax.broadcasted_iota(jnp.int32, (_BN, 96), 1)
    oh = (ids == a).astype(jnp.float32)
    ft = lax.dot_general(
        emb_ref[...], w_ref[...], (((1,), (0,)), ((), ())),
        precision=lax.Precision.HIGHEST, preferred_element_type=jnp.float32,
    )
    xs = lax.dot_general(
        oh, ft, (((1,), (0,)), ((), ())),
        precision=lax.Precision.HIGHEST, preferred_element_type=jnp.float32,
    )
    out_ref[...] = xs + b_ref[...]


def _xsc_compute(at_no, embed_table, W_lin, b_lin):
    atno2 = at_no.reshape(_N, 1).astype(jnp.int32)
    emb = jnp.zeros((96, 64), jnp.float32).at[:87, :56].set(embed_table)
    w = jnp.zeros((64, 128), jnp.float32).at[:56, :].set(W_lin.T)
    b2 = b_lin.reshape(1, 128)
    return pl.pallas_call(
        _xsc_body,
        grid=(_N // _BN,),
        in_specs=[
            pl.BlockSpec((_BN, 1), lambda b: (b, 0)),
            pl.BlockSpec((96, 64), lambda b: (0, 0)),
            pl.BlockSpec((64, 128), lambda b: (0, 0)),
            pl.BlockSpec((1, 128), lambda b: (0, 0)),
        ],
        out_specs=pl.BlockSpec((_BN, 128), lambda b: (b, 0)),
        out_shape=jax.ShapeDtypeStruct((_N, 128), jnp.float32),
    )(atno2, emb, w, b2)


def kernel(at_no, pos, edge_index, shifts, embed_table, W_lin, b_lin):
    vec3d = _sc_gather_vec(pos, edge_index, shifts)
    x_scalar = _xsc_compute(at_no, embed_table, W_lin, b_lin)
    rshp, aux = _edge_compute(vec3d, jnp.asarray(_CMAT))
    rsh = rshp[:, 0:480]
    rbf = aux[:, 0:_NBASIS]
    fcut = aux[:, _NBASIS:_NBASIS + 1]
    return x_scalar, rbf, fcut, rsh

# --- scband reference (transcript-rebuilt; emitter-appended) ---
"""Pipeline reference for scband-xembedding-29154238005841 (READ-ONLY COPY).

The authoritative reference and input builder live on the scoring server;
editing this copy changes nothing except your own understanding.
"""

import math
import jax, jax.numpy as jnp
import numpy as np

N_NODES = 10000
N_EDGES = 160000
NUM_ELEMENTS = 87
EMBED_DIM = 56
NODE_DIM = 128
NUM_BASIS = 20
CUTOFF = 5.0
MULS = (128, 64, 32)  # multiplicities for l=0 (0e), l=1 (1o), l=2 (2e)


def _sph_harm_l012(u):
    # u: [E,3] unit vectors; e3nn real spherical harmonics, 'component' normalization.
    # e3nn treats input columns as (x, y, z); caller already applied the [1,2,0] permutation.
    x = u[:, 0]
    y = u[:, 1]
    z = u[:, 2]
    sh0 = jnp.ones_like(x)[:, None]
    sh1 = math.sqrt(3.0) * u
    sh2 = jnp.stack([
        math.sqrt(15.0) * x * z,
        math.sqrt(15.0) * x * y,
        math.sqrt(5.0) * (y * y - 0.5 * (x * x + z * z)),
        math.sqrt(15.0) * y * z,
        (math.sqrt(15.0) / 2.0) * (z * z - x * x),
    ], axis=-1)
    # Irreps '128x0e + 64x1o + 32x2e': each harmonic repeated mul times, concatenated.
    return jnp.concatenate([
        jnp.tile(sh0, (1, MULS[0])),
        jnp.tile(sh1, (1, MULS[1])),
        jnp.tile(sh2, (1, MULS[2])),
    ], axis=-1)


def _forward(at_no, pos, edge_index, shifts, embed_table, W_lin, b_lin):
    # vec = pos[src] - pos[dst] - shifts
    vec = jnp.take(pos, edge_index[0], axis=0) - jnp.take(pos, edge_index[1], axis=0) - shifts
    dist = jnp.linalg.norm(vec, axis=-1, keepdims=True)  # [E,1]
    # Int2c1eEmbedding: fixed per-element feature table lookup
    x = jnp.take(embed_table, at_no, axis=0)  # [N, EMBED_DIM]
    x_scalar = x @ W_lin.T + b_lin  # [N, NODE_DIM]
    # Bessel RBF
    n = jnp.arange(1, NUM_BASIS + 1, dtype=jnp.float32)
    freq = n * math.pi / CUTOFF
    rbf = math.sqrt(2.0 / CUTOFF) * jnp.sin(freq * dist) / dist  # [E, NUM_BASIS]
    # Cosine cutoff
    fcut = 0.5 * (jnp.cos(math.pi * dist / CUTOFF) + 1.0) * (dist < CUTOFF).astype(dist.dtype)  # [E,1]
    # Spherical harmonics on permuted, normalized vectors
    vperm = vec[:, jnp.array([1, 2, 0])]
    u = vperm / jnp.linalg.norm(vperm, axis=-1, keepdims=True)
    rsh = _sph_harm_l012(u)  # [E, 480]
    return x_scalar, rbf, fcut, rsh


def setup_inputs(seed: int = 0) -> dict:
    key = jax.random.key(seed)
    k1, k2, k3, k4, k5, k6 = jax.random.split(key, 6)
    at_no = jax.random.randint(k1, (N_NODES,), 0, NUM_ELEMENTS)
    pos = jax.random.normal(k2, (N_NODES, 3), dtype=jnp.float32)
    edge_index = jax.random.randint(k3, (2, N_EDGES), 0, N_NODES)
    # shifts strictly in (0,1): guarantees vec != 0 even for accidental self-loops
    shifts = jax.random.uniform(k4, (N_EDGES, 3), dtype=jnp.float32)
    embed_table = jax.random.normal(k5, (NUM_ELEMENTS, EMBED_DIM), dtype=jnp.float32)
    W_lin = jax.random.normal(k6, (NODE_DIM, EMBED_DIM), dtype=jnp.float32) / math.sqrt(EMBED_DIM)
    b_lin = jnp.zeros((NODE_DIM,), dtype=jnp.float32)
    return {"at_no": at_no, "pos": pos, "edge_index": edge_index, "shifts": shifts,
            "embed_table": embed_table, "W_lin": W_lin, "b_lin": b_lin}


def reference(at_no, pos, edge_index, shifts, embed_table, W_lin, b_lin):
    return _forward(at_no, pos, edge_index, shifts, embed_table, W_lin, b_lin)

if __name__ == "__main__":
    import jax
    _d = setup_inputs()
    print(jax.jit(kernel)(*tuple(_d.values())))

</pallas_src>

<mosaic_0001>
#map = affine_map<(d0, d1) -> (0)>
#map1 = affine_map<(d0, d1) -> (0, 0, 0)>
module attributes {stable_mosaic.version = 14 : i64} {
  func.func @_sc_vec_body(%arg0: i32, %arg1: i32, %arg2: memref<10000xf32, #tpu.memory_space<hbm>>, %arg3: memref<10000xf32, #tpu.memory_space<hbm>>, %arg4: memref<10000xf32, #tpu.memory_space<hbm>>, %arg5: memref<163840xi32, #tpu.memory_space<hbm>>, %arg6: memref<163840xi32, #tpu.memory_space<hbm>>, %arg7: memref<163840xf32, #tpu.memory_space<hbm>>, %arg8: memref<163840xf32, #tpu.memory_space<hbm>>, %arg9: memref<163840xf32, #tpu.memory_space<hbm>>, %arg10: memref<128x8x1280xf32, #tpu.memory_space<hbm>>, %arg11: memref<10000xf32, #tpu.memory_space<vmem>>, %arg12: memref<10000xf32, #tpu.memory_space<vmem>>, %arg13: memref<10000xf32, #tpu.memory_space<vmem>>, %arg14: memref<5120xi32, #tpu.memory_space<vmem>>, %arg15: memref<5120xi32, #tpu.memory_space<vmem>>, %arg16: memref<5120xf32, #tpu.memory_space<vmem>>, %arg17: memref<5120xf32, #tpu.memory_space<vmem>>, %arg18: memref<5120xf32, #tpu.memory_space<vmem>>, %arg19: memref<5120xf32, #tpu.memory_space<vmem>>, %arg20: memref<5120xf32, #tpu.memory_space<vmem>>, %arg21: memref<5120xf32, #tpu.memory_space<vmem>>) attributes {dimension_semantics = [#tpu.dimension_semantics<core_parallel>, #tpu.dimension_semantics<subcore_parallel>], iteration_bounds = array<i64: 2, 16>, scalar_prefetch = 0 : i64, scratch_operands = 11 : i64, tpu.core_type = #tpu.core_type<sc_vector_subcore>, window_params = [{transform_indices = #map}, {transform_indices = #map}, {transform_indices = #map}, {transform_indices = #map}, {transform_indices = #map}, {transform_indices = #map}, {transform_indices = #map}, {transform_indices = #map}, {transform_indices = #map1}]} {
    %mul3A = arith.constant 2 : i32
    %mul3A_0 = arith.muli %arg1, %mul3A : i32
    %add3A = arith.addi %mul3A_0, %arg0 : i32
    %mul3A_1 = arith.constant 5120 : i32
    %mul3A_2 = arith.muli %add3A, %mul3A_1 : i32
    "tpu.region"() ({
      %run_scoped3A_35 = tpu.sem_alloc : memref<!tpu.dma_semaphore, #tpu.memory_space<semaphore_mem>>
      tpu.enqueue_dma source(%arg2 : memref<10000xf32, #tpu.memory_space<hbm>>) target(%arg11 : memref<10000xf32, #tpu.memory_space<vmem>>) target_semaphore(%run_scoped3A_35 : memref<!tpu.dma_semaphore, #tpu.memory_space<semaphore_mem>>)
      tpu.wait_dma2 semaphore(%run_scoped3A_35 : memref<!tpu.dma_semaphore, #tpu.memory_space<semaphore_mem>>) src(%arg2 : memref<10000xf32, #tpu.memory_space<hbm>>) dst(%arg11 : memref<10000xf32, #tpu.memory_space<vmem>>)
      tpu.yield
    }) : () -> ()
    "tpu.region"() ({
      %run_scoped3A_35 = tpu.sem_alloc : memref<!tpu.dma_semaphore, #tpu.memory_space<semaphore_mem>>
      tpu.enqueue_dma source(%arg3 : memref<10000xf32, #tpu.memory_space<hbm>>) target(%arg12 : memref<10000xf32, #tpu.memory_space<vmem>>) target_semaphore(%run_scoped3A_35 : memref<!tpu.dma_semaphore, #tpu.memory_space<semaphore_mem>>)
      tpu.wait_dma2 semaphore(%run_scoped3A_35 : memref<!tpu.dma_semaphore, #tpu.memory_space<semaphore_mem>>) src(%arg3 : memref<10000xf32, #tpu.memory_space<hbm>>) dst(%arg12 : memref<10000xf32, #tpu.memory_space<vmem>>)
      tpu.yield
    }) : () -> ()
    "tpu.region"() ({
      %run_scoped3A_35 = tpu.sem_alloc : memref<!tpu.dma_semaphore, #tpu.memory_space<semaphore_mem>>
      tpu.enqueue_dma source(%arg4 : memref<10000xf32, #tpu.memory_space<hbm>>) target(%arg13 : memref<10000xf32, #tpu.memory_space<vmem>>) target_semaphore(%run_scoped3A_35 : memref<!tpu.dma_semaphore, #tpu.memory_space<semaphore_mem>>)
      tpu.wait_dma2 semaphore(%run_scoped3A_35 : memref<!tpu.dma_semaphore, #tpu.memory_space<semaphore_mem>>) src(%arg4 : memref<10000xf32, #tpu.memory_space<hbm>>) dst(%arg13 : memref<10000xf32, #tpu.memory_space<vmem>>)
      tpu.yield
    }) : () -> ()
    "tpu.region"() ({
      %run_scoped3A_35 = tpu.sem_alloc : memref<!tpu.dma_semaphore, #tpu.memory_space<semaphore_mem>>
      %dma_start3A = tpu.memref_slice %arg5[%mul3A_2] : memref<163840xi32, #tpu.memory_space<hbm>> -> memref<5120xi32, #tpu.memory_space<hbm>>
      %dma_start3A_36 = tpu.memref_slice %arg5[%mul3A_2] : memref<163840xi32, #tpu.memory_space<hbm>> -> memref<5120xi32, #tpu.memory_space<hbm>>
      tpu.enqueue_dma source(%dma_start3A_36 : memref<5120xi32, #tpu.memory_space<hbm>>) target(%arg14 : memref<5120xi32, #tpu.memory_space<vmem>>) target_semaphore(%run_scoped3A_35 : memref<!tpu.dma_semaphore, #tpu.memory_space<semaphore_mem>>)
      %dma_wait3A = tpu.memref_slice %arg5[%mul3A_2] : memref<163840xi32, #tpu.memory_space<hbm>> -> memref<5120xi32, #tpu.memory_space<hbm>>
      %dma_wait3A_37 = tpu.memref_slice %arg5[%mul3A_2] : memref<163840xi32, #tpu.memory_space<hbm>> -> memref<5120xi32, #tpu.memory_space<hbm>>
      tpu.wait_dma2 semaphore(%run_scoped3A_35 : memref<!tpu.dma_semaphore, #tpu.memory_space<semaphore_mem>>) src(%dma_wait3A_37 : memref<5120xi32, #tpu.memory_space<hbm>>) dst(%arg14 : memref<5120xi32, #tpu.memory_space<vmem>>)
      tpu.yield
    }) : () -> ()
    "tpu.region"() ({
      %run_scoped3A_35 = tpu.sem_alloc : memref<!tpu.dma_semaphore, #tpu.memory_space<semaphore_mem>>
      %dma_start3A = tpu.memref_slice %arg6[%mul3A_2] : memref<163840xi32, #tpu.memory_space<hbm>> -> memref<5120xi32, #tpu.memory_space<hbm>>
      %dma_start3A_36 = tpu.memref_slice %arg6[%mul3A_2] : memref<163840xi32, #tpu.memory_space<hbm>> -> memref<5120xi32, #tpu.memory_space<hbm>>
      tpu.enqueue_dma source(%dma_start3A_36 : memref<5120xi32, #tpu.memory_space<hbm>>) target(%arg15 : memref<5120xi32, #tpu.memory_space<vmem>>) target_semaphore(%run_scoped3A_35 : memref<!tpu.dma_semaphore, #tpu.memory_space<semaphore_mem>>)
      %dma_wait3A = tpu.memref_slice %arg6[%mul3A_2] : memref<163840xi32, #tpu.memory_space<hbm>> -> memref<5120xi32, #tpu.memory_space<hbm>>
      %dma_wait3A_37 = tpu.memref_slice %arg6[%mul3A_2] : memref<163840xi32, #tpu.memory_space<hbm>> -> memref<5120xi32, #tpu.memory_space<hbm>>
      tpu.wait_dma2 semaphore(%run_scoped3A_35 : memref<!tpu.dma_semaphore, #tpu.memory_space<semaphore_mem>>) src(%dma_wait3A_37 : memref<5120xi32, #tpu.memory_space<hbm>>) dst(%arg15 : memref<5120xi32, #tpu.memory_space<vmem>>)
      tpu.yield
    }) : () -> ()
    "tpu.region"() ({
      %run_scoped3A_35 = tpu.sem_alloc : memref<!tpu.dma_semaphore, #tpu.memory_space<semaphore_mem>>
      %dma_start3A = tpu.memref_slice %arg7[%mul3A_2] : memref<163840xf32, #tpu.memory_space<hbm>> -> memref<5120xf32, #tpu.memory_space<hbm>>
      %dma_start3A_36 = tpu.memref_slice %arg7[%mul3A_2] : memref<163840xf32, #tpu.memory_space<hbm>> -> memref<5120xf32, #tpu.memory_space<hbm>>
      tpu.enqueue_dma source(%dma_start3A_36 : memref<5120xf32, #tpu.memory_space<hbm>>) target(%arg16 : memref<5120xf32, #tpu.memory_space<vmem>>) target_semaphore(%run_scoped3A_35 : memref<!tpu.dma_semaphore, #tpu.memory_space<semaphore_mem>>)
      %dma_wait3A = tpu.memref_slice %arg7[%mul3A_2] : memref<163840xf32, #tpu.memory_space<hbm>> -> memref<5120xf32, #tpu.memory_space<hbm>>
      %dma_wait3A_37 = tpu.memref_slice %arg7[%mul3A_2] : memref<163840xf32, #tpu.memory_space<hbm>> -> memref<5120xf32, #tpu.memory_space<hbm>>
      tpu.wait_dma2 semaphore(%run_scoped3A_35 : memref<!tpu.dma_semaphore, #tpu.memory_space<semaphore_mem>>) src(%dma_wait3A_37 : memref<5120xf32, #tpu.memory_space<hbm>>) dst(%arg16 : memref<5120xf32, #tpu.memory_space<vmem>>)
      tpu.yield
    }) : () -> ()
    "tpu.region"() ({
      %run_scoped3A_35 = tpu.sem_alloc : memref<!tpu.dma_semaphore, #tpu.memory_space<semaphore_mem>>
      %dma_start3A = tpu.memref_slice %arg8[%mul3A_2] : memref<163840xf32, #tpu.memory_space<hbm>> -> memref<5120xf32, #tpu.memory_space<hbm>>
      %dma_start3A_36 = tpu.memref_slice %arg8[%mul3A_2] : memref<163840xf32, #tpu.memory_space<hbm>> -> memref<5120xf32, #tpu.memory_space<hbm>>
      tpu.enqueue_dma source(%dma_start3A_36 : memref<5120xf32, #tpu.memory_space<hbm>>) target(%arg17 : memref<5120xf32, #tpu.memory_space<vmem>>) target_semaphore(%run_scoped3A_35 : memref<!tpu.dma_semaphore, #tpu.memory_space<semaphore_mem>>)
      %dma_wait3A = tpu.memref_slice %arg8[%mul3A_2] : memref<163840xf32, #tpu.memory_space<hbm>> -> memref<5120xf32, #tpu.memory_space<hbm>>
      %dma_wait3A_37 = tpu.memref_slice %arg8[%mul3A_2] : memref<163840xf32, #tpu.memory_space<hbm>> -> memref<5120xf32, #tpu.memory_space<hbm>>
      tpu.wait_dma2 semaphore(%run_scoped3A_35 : memref<!tpu.dma_semaphore, #tpu.memory_space<semaphore_mem>>) src(%dma_wait3A_37 : memref<5120xf32, #tpu.memory_space<hbm>>) dst(%arg17 : memref<5120xf32, #tpu.memory_space<vmem>>)
      tpu.yield
    }) : () -> ()
    "tpu.region"() ({
      %run_scoped3A_35 = tpu.sem_alloc : memref<!tpu.dma_semaphore, #tpu.memory_space<semaphore_mem>>
      %dma_start3A = tpu.memref_slice %arg9[%mul3A_2] : memref<163840xf32, #tpu.memory_space<hbm>> -> memref<5120xf32, #tpu.memory_space<hbm>>
      %dma_start3A_36 = tpu.memref_slice %arg9[%mul3A_2] : memref<163840xf32, #tpu.memory_space<hbm>> -> memref<5120xf32, #tpu.memory_space<hbm>>
      tpu.enqueue_dma source(%dma_start3A_36 : memref<5120xf32, #tpu.memory_space<hbm>>) target(%arg18 : memref<5120xf32, #tpu.memory_space<vmem>>) target_semaphore(%run_scoped3A_35 : memref<!tpu.dma_semaphore, #tpu.memory_space<semaphore_mem>>)
      %dma_wait3A = tpu.memref_slice %arg9[%mul3A_2] : memref<163840xf32, #tpu.memory_space<hbm>> -> memref<5120xf32, #tpu.memory_space<hbm>>
      %dma_wait3A_37 = tpu.memref_slice %arg9[%mul3A_2] : memref<163840xf32, #tpu.memory_space<hbm>> -> memref<5120xf32, #tpu.memory_space<hbm>>
      tpu.wait_dma2 semaphore(%run_scoped3A_35 : memref<!tpu.dma_semaphore, #tpu.memory_space<semaphore_mem>>) src(%dma_wait3A_37 : memref<5120xf32, #tpu.memory_space<hbm>>) dst(%arg18 : memref<5120xf32, #tpu.memory_space<vmem>>)
      tpu.yield
    }) : () -> ()
    %scan3A = arith.constant 0 : i32
    %scan3A_3 = arith.constant 0 : i32
    %scan3A_4 = arith.constant 320 : i32
    %scan3A_5 = arith.addi %scan3A_3, %scan3A_4 : i32
    %scan3A_6 = arith.constant 1 : i32
    scf.for %scan3A_35 = %scan3A_3 to %scan3A_5 step %scan3A_6  : i32 {
      %mul3A_36 = arith.constant 16 : i32
      %mul3A_37 = arith.muli %scan3A_35, %mul3A_36 : i32
      %get3A = arith.index_cast %mul3A_37 : i32 to index
      %get3A_38 = tpu.vector_load %arg14[%get3A] {strides = array<i32>} : memref<5120xi32, #tpu.memory_space<vmem>>, vector<16xi32>,
      %get3A_39 = arith.index_cast %mul3A_37 : i32 to index
      %get3A_40 = tpu.vector_load %arg15[%get3A_39] {strides = array<i32>} : memref<5120xi32, #tpu.memory_space<vmem>>, vector<16xi32>,
      %gather3A = tpu.vector_load_idx %arg11[%get3A_38] : memref<10000xf32, #tpu.memory_space<vmem>>[vector<16xi32>], vector<16xf32>,
      %gather3A_41 = tpu.vector_load_idx %arg11[%get3A_40] : memref<10000xf32, #tpu.memory_space<vmem>>[vector<16xi32>], vector<16xf32>,
      %sub3A = arith.subf %gather3A, %gather3A_41 : vector<16xf32>
      %get3A_42 = arith.index_cast %mul3A_37 : i32 to index
      %get3A_43 = tpu.vector_load %arg16[%get3A_42] {strides = array<i32>} : memref<5120xf32, #tpu.memory_space<vmem>>, vector<16xf32>,
      %sub3A_44 = arith.subf %sub3A, %get3A_43 : vector<16xf32>
      %swap3A = arith.index_cast %mul3A_37 : i32 to index
      %swap3A_45 = tpu.vector_load %arg19[%swap3A] {strides = array<i32>} : memref<5120xf32, #tpu.memory_space<vmem>>, vector<16xf32>,
      tpu.vector_store %arg19[%swap3A], %sub3A_44 {strides = array<i32>} : memref<5120xf32, #tpu.memory_space<vmem>>, vector<16xf32>,
      %gather3A_46 = tpu.vector_load_idx %arg12[%get3A_38] : memref<10000xf32, #tpu.memory_space<vmem>>[vector<16xi32>], vector<16xf32>,
      %gather3A_47 = tpu.vector_load_idx %arg12[%get3A_40] : memref<10000xf32, #tpu.memory_space<vmem>>[vector<16xi32>], vector<16xf32>,
      %sub3A_48 = arith.subf %gather3A_46, %gather3A_47 : vector<16xf32>
      %get3A_49 = arith.index_cast %mul3A_37 : i32 to index
      %get3A_50 = tpu.vector_load %arg17[%get3A_49] {strides = array<i32>} : memref<5120xf32, #tpu.memory_space<vmem>>, vector<16xf32>,
      %sub3A_51 = arith.subf %sub3A_48, %get3A_50 : vector<16xf32>
      %swap3A_52 = arith.index_cast %mul3A_37 : i32 to index
      %swap3A_53 = tpu.vector_load %arg20[%swap3A_52] {strides = array<i32>} : memref<5120xf32, #tpu.memory_space<vmem>>, vector<16xf32>,
      tpu.vector_store %arg20[%swap3A_52], %sub3A_51 {strides = array<i32>} : memref<5120xf32, #tpu.memory_space<vmem>>, vector<16xf32>,
      %gather3A_54 = tpu.vector_load_idx %arg13[%get3A_38] : memref<10000xf32, #tpu.memory_space<vmem>>[vector<16xi32>], vector<16xf32>,
      %gather3A_55 = tpu.vector_load_idx %arg13[%get3A_40] : memref<10000xf32, #tpu.memory_space<vmem>>[vector<16xi32>], vector<16xf32>,
      %sub3A_56 = arith.subf %gather3A_54, %gather3A_55 : vector<16xf32>
      %get3A_57 = arith.index_cast %mul3A_37 : i32 to index
      %get3A_58 = tpu.vector_load %arg18[%get3A_57] {strides = array<i32>} : memref<5120xf32, #tpu.memory_space<vmem>>, vector<16xf32>,
      %sub3A_59 = arith.subf %sub3A_56, %get3A_58 : vector<16xf32>
      %swap3A_60 = arith.index_cast %mul3A_37 : i32 to index
      %swap3A_61 = tpu.vector_load %arg21[%swap3A_60] {strides = array<i32>} : memref<5120xf32, #tpu.memory_space<vmem>>, vector<16xf32>,
      tpu.vector_store %arg21[%swap3A_60], %sub3A_59 {strides = array<i32>} : memref<5120xf32, #tpu.memory_space<vmem>>, vector<16xf32>,
    }
    %scan3A_7 = arith.constant 320 : i32
    %mul3A_8 = arith.constant 4 : i32
    %mul3A_9 = arith.muli %add3A, %mul3A_8 : i32
    %add3A_10 = arith.constant 0 : i32
    %add3A_11 = arith.addi %mul3A_9, %add3A_10 : i32
    %run_scoped3A = arith.constant 0 : i32
    "tpu.region"() ({
      %run_scoped3A_35 = tpu.sem_alloc : memref<!tpu.dma_semaphore, #tpu.memory_space<semaphore_mem>>
      %dma_start3A = arith.constant 0 : i32
      %dma_start3A_36 = tpu.memref_slice %arg19[%dma_start3A] : memref<5120xf32, #tpu.memory_space<vmem>> -> memref<1280xf32, #tpu.memory_space<vmem>>
      %dma_start3A_37 = arith.constant 0 : i32
      %dma_start3A_38 = tpu.memref_slice %arg10[%add3A_11, %run_scoped3A, %dma_start3A_37] : memref<128x8x1280xf32, #tpu.memory_space<hbm>> -> memref<1x1x1280xf32, #tpu.memory_space<hbm>>
      %dma_start3A_39 = tpu.memref_squeeze %dma_start3A_38 : memref<1x1x1280xf32, #tpu.memory_space<hbm>> -> memref<1280xf32, #tpu.memory_space<hbm>>
      %dma_start3A_40 = arith.constant 0 : i32
      %dma_start3A_41 = tpu.memref_slice %arg10[%add3A_11, %run_scoped3A, %dma_start3A_40] : memref<128x8x1280xf32, #tpu.memory_space<hbm>> -> memref<1x1x1280xf32, #tpu.memory_space<hbm>>
      %dma_start3A_42 = tpu.memref_squeeze %dma_start3A_41 : memref<1x1x1280xf32, #tpu.memory_space<hbm>> -> memref<1280xf32, #tpu.memory_space<hbm>>
      %dma_start3A_43 = arith.constant 0 : i32
      %dma_start3A_44 = tpu.memref_slice %arg19[%dma_start3A_43] : memref<5120xf32, #tpu.memory_space<vmem>> -> memref<1280xf32, #tpu.memory_space<vmem>>
      tpu.enqueue_dma source(%dma_start3A_44 : memref<1280xf32, #tpu.memory_space<vmem>>) target(%dma_start3A_42 : memref<1280xf32, #tpu.memory_space<hbm>>) target_semaphore(%run_scoped3A_35 : memref<!tpu.dma_semaphore, #tpu.memory_space<semaphore_mem>>)
      %dma_wait3A = arith.constant 0 : i32
      %dma_wait3A_45 = tpu.memref_slice %arg19[%dma_wait3A] : memref<5120xf32, #tpu.memory_space<vmem>> -> memref<1280xf32, #tpu.memory_space<vmem>>
      %dma_wait3A_46 = arith.constant 0 : i32
      %dma_wait3A_47 = tpu.memref_slice %arg10[%add3A_11, %run_scoped3A, %dma_wait3A_46] : memref<128x8x1280xf32, #tpu.memory_space<hbm>> -> memref<1x1x1280xf32, #tpu.memory_space<hbm>>
      %dma_wait3A_48 = tpu.memref_squeeze %dma_wait3A_47 : memref<1x1x1280xf32, #tpu.memory_space<hbm>> -> memref<1280xf32, #tpu.memory_space<hbm>>
      %dma_wait3A_49 = arith.constant 0 : i32
      %dma_wait3A_50 = tpu.memref_slice %arg10[%add3A_11, %run_scoped3A, %dma_wait3A_49] : memref<128x8x1280xf32, #tpu.memory_space<hbm>> -> memref<1x1x1280xf32, #tpu.memory_space<hbm>>
      %dma_wait3A_51 = tpu.memref_squeeze %dma_wait3A_50 : memref<1x1x1280xf32, #tpu.memory_space<hbm>> -> memref<1280xf32, #tpu.memory_space<hbm>>
      %dma_wait3A_52 = arith.constant 0 : i32
      %dma_wait3A_53 = tpu.memref_slice %arg19[%dma_wait3A_52] : memref<5120xf32, #tpu.memory_space<vmem>> -> memref<1280xf32, #tpu.memory_space<vmem>>
      tpu.wait_dma2 semaphore(%run_scoped3A_35 : memref<!tpu.dma_semaphore, #tpu.memory_space<semaphore_mem>>) src(%dma_wait3A_53 : memref<1280xf32, #tpu.memory_space<vmem>>) dst(%dma_wait3A_51 : memref<1280xf32, #tpu.memory_space<hbm>>)
      tpu.yield
    }) : () -> ()
    %run_scoped3A_12 = arith.constant 1 : i32
    "tpu.region"() ({
      %run_scoped3A_35 = tpu.sem_alloc : memref<!tpu.dma_semaphore, #tpu.memory_space<semaphore_mem>>
      %dma_start3A = arith.constant 0 : i32
      %dma_start3A_36 = tpu.memref_slice %arg20[%dma_start3A] : memref<5120xf32, #tpu.memory_space<vmem>> -> memref<1280xf32, #tpu.memory_space<vmem>>
      %dma_start3A_37 = arith.constant 0 : i32
      %dma_start3A_38 = tpu.memref_slice %arg10[%add3A_11, %run_scoped3A_12, %dma_start3A_37] : memref<128x8x1280xf32, #tpu.memory_space<hbm>> -> memref<1x1x1280xf32, #tpu.memory_space<hbm>>
      %dma_start3A_39 = tpu.memref_squeeze %dma_start3A_38 : memref<1x1x1280xf32, #tpu.memory_space<hbm>> -> memref<1280xf32, #tpu.memory_space<hbm>>
      %dma_start3A_40 = arith.constant 0 : i32
      %dma_start3A_41 = tpu.memref_slice %arg10[%add3A_11, %run_scoped3A_12, %dma_start3A_40] : memref<128x8x1280xf32, #tpu.memory_space<hbm>> -> memref<1x1x1280xf32, #tpu.memory_space<hbm>>
      %dma_start3A_42 = tpu.memref_squeeze %dma_start3A_41 : memref<1x1x1280xf32, #tpu.memory_space<hbm>> -> memref<1280xf32, #tpu.memory_space<hbm>>
      %dma_start3A_43 = arith.constant 0 : i32
      %dma_start3A_44 = tpu.memref_slice %arg20[%dma_start3A_43] : memref<5120xf32, #tpu.memory_space<vmem>> -> memref<1280xf32, #tpu.memory_space<vmem>>
      tpu.enqueue_dma source(%dma_start3A_44 : memref<1280xf32, #tpu.memory_space<vmem>>) target(%dma_start3A_42 : memref<1280xf32, #tpu.memory_space<hbm>>) target_semaphore(%run_scoped3A_35 : memref<!tpu.dma_semaphore, #tpu.memory_space<semaphore_mem>>)
      %dma_wait3A = arith.constant 0 : i32
      %dma_wait3A_45 = tpu.memref_slice %arg20[%dma_wait3A] : memref<5120xf32, #tpu.memory_space<vmem>> -> memref<1280xf32, #tpu.memory_space<vmem>>
      %dma_wait3A_46 = arith.constant 0 : i32
      %dma_wait3A_47 = tpu.memref_slice %arg10[%add3A_11, %run_scoped3A_12, %dma_wait3A_46] : memref<128x8x1280xf32, #tpu.memory_space<hbm>> -> memref<1x1x1280xf32, #tpu.memory_space<hbm>>
      %dma_wait3A_48 = tpu.memref_squeeze %dma_wait3A_47 : memref<1x1x1280xf32, #tpu.memory_space<hbm>> -> memref<1280xf32, #tpu.memory_space<hbm>>
      %dma_wait3A_49 = arith.constant 0 : i32
      %dma_wait3A_50 = tpu.memref_slice %arg10[%add3A_11, %run_scoped3A_12, %dma_wait3A_49] : memref<128x8x1280xf32, #tpu.memory_space<hbm>> -> memref<1x1x1280xf32, #tpu.memory_space<hbm>>
      %dma_wait3A_51 = tpu.memref_squeeze %dma_wait3A_50 : memref<1x1x1280xf32, #tpu.memory_space<hbm>> -> memref<1280xf32, #tpu.memory_space<hbm>>
      %dma_wait3A_52 = arith.constant 0 : i32
      %dma_wait3A_53 = tpu.memref_slice %arg20[%dma_wait3A_52] : memref<5120xf32, #tpu.memory_space<vmem>> -> memref<1280xf32, #tpu.memory_space<vmem>>
      tpu.wait_dma2 semaphore(%run_scoped3A_35 : memref<!tpu.dma_semaphore, #tpu.memory_space<semaphore_mem>>) src(%dma_wait3A_53 : memref<1280xf32, #tpu.memory_space<vmem>>) dst(%dma_wait3A_51 : memref<1280xf32, #tpu.memory_space<hbm>>)
      tpu.yield
    }) : () -> ()
    %run_scoped3A_13 = arith.constant 2 : i32
    "tpu.region"() ({
      %run_scoped3A_35 = tpu.sem_alloc : memref<!tpu.dma_semaphore, #tpu.memory_space<semaphore_mem>>
      %dma_start3A = arith.constant 0 : i32
      %dma_start3A_36 = tpu.memref_slice %arg21[%dma_start3A] : memref<5120xf32, #tpu.memory_space<vmem>> -> memref<1280xf32, #tpu.memory_space<vmem>>
      %dma_start3A_37 = arith.constant 0 : i32
      %dma_start3A_38 = tpu.memref_slice %arg10[%add3A_11, %run_scoped3A_13, %dma_start3A_37] : memref<128x8x1280xf32, #tpu.memory_space<hbm>> -> memref<1x1x1280xf32, #tpu.memory_space<hbm>>
      %dma_start3A_39 = tpu.memref_squeeze %dma_start3A_38 : memref<1x1x1280xf32, #tpu.memory_space<hbm>> -> memref<1280xf32, #tpu.memory_space<hbm>>
      %dma_start3A_40 = arith.constant 0 : i32
      %dma_start3A_41 = tpu.memref_slice %arg10[%add3A_11, %run_scoped3A_13, %dma_start3A_40] : memref<128x8x1280xf32, #tpu.memory_space<hbm>> -> memref<1x1x1280xf32, #tpu.memory_space<hbm>>
      %dma_start3A_42 = tpu.memref_squeeze %dma_start3A_41 : memref<1x1x1280xf32, #tpu.memory_space<hbm>> -> memref<1280xf32, #tpu.memory_space<hbm>>
      %dma_start3A_43 = arith.constant 0 : i32
      %dma_start3A_44 = tpu.memref_slice %arg21[%dma_start3A_43] : memref<5120xf32, #tpu.memory_space<vmem>> -> memref<1280xf32, #tpu.memory_space<vmem>>
      tpu.enqueue_dma source(%dma_start3A_44 : memref<1280xf32, #tpu.memory_space<vmem>>) target(%dma_start3A_42 : memref<1280xf32, #tpu.memory_space<hbm>>) target_semaphore(%run_scoped3A_35 : memref<!tpu.dma_semaphore, #tpu.memory_space<semaphore_mem>>)
      %dma_wait3A = arith.constant 0 : i32
      %dma_wait3A_45 = tpu.memref_slice %arg21[%dma_wait3A] : memref<5120xf32, #tpu.memory_space<vmem>> -> memref<1280xf32, #tpu.memory_space<vmem>>
      %dma_wait3A_46 = arith.constant 0 : i32
      %dma_wait3A_47 = tpu.memref_slice %arg10[%add3A_11, %run_scoped3A_13, %dma_wait3A_46] : memref<128x8x1280xf32, #tpu.memory_space<hbm>> -> memref<1x1x1280xf32, #tpu.memory_space<hbm>>
      %dma_wait3A_48 = tpu.memref_squeeze %dma_wait3A_47 : memref<1x1x1280xf32, #tpu.memory_space<hbm>> -> memref<1280xf32, #tpu.memory_space<hbm>>
      %dma_wait3A_49 = arith.constant 0 : i32
      %dma_wait3A_50 = tpu.memref_slice %arg10[%add3A_11, %run_scoped3A_13, %dma_wait3A_49] : memref<128x8x1280xf32, #tpu.memory_space<hbm>> -> memref<1x1x1280xf32, #tpu.memory_space<hbm>>
      %dma_wait3A_51 = tpu.memref_squeeze %dma_wait3A_50 : memref<1x1x1280xf32, #tpu.memory_space<hbm>> -> memref<1280xf32, #tpu.memory_space<hbm>>
      %dma_wait3A_52 = arith.constant 0 : i32
      %dma_wait3A_53 = tpu.memref_slice %arg21[%dma_wait3A_52] : memref<5120xf32, #tpu.memory_space<vmem>> -> memref<1280xf32, #tpu.memory_space<vmem>>
      tpu.wait_dma2 semaphore(%run_scoped3A_35 : memref<!tpu.dma_semaphore, #tpu.memory_space<semaphore_mem>>) src(%dma_wait3A_53 : memref<1280xf32, #tpu.memory_space<vmem>>) dst(%dma_wait3A_51 : memref<1280xf32, #tpu.memory_space<hbm>>)
      tpu.yield
    }) : () -> ()
    %mul3A_14 = arith.constant 4 : i32
    %mul3A_15 = arith.muli %add3A, %mul3A_14 : i32
    %add3A_16 = arith.constant 1 : i32
    %add3A_17 = arith.addi %mul3A_15, %add3A_16 : i32
    %run_scoped3A_18 = arith.constant 0 : i32
    "tpu.region"() ({
      %run_scoped3A_35 = tpu.sem_alloc : memref<!tpu.dma_semaphore, #tpu.memory_space<semaphore_mem>>
      %dma_start3A = arith.constant 1280 : i32
      %dma_start3A_36 = tpu.memref_slice %arg19[%dma_start3A] : memref<5120xf32, #tpu.memory_space<vmem>> -> memref<1280xf32, #tpu.memory_space<vmem>>
      %dma_start3A_37 = arith.constant 0 : i32
      %dma_start3A_38 = tpu.memref_slice %arg10[%add3A_17, %run_scoped3A_18, %dma_start3A_37] : memref<128x8x1280xf32, #tpu.memory_space<hbm>> -> memref<1x1x1280xf32, #tpu.memory_space<hbm>>
      %dma_start3A_39 = tpu.memref_squeeze %dma_start3A_38 : memref<1x1x1280xf32, #tpu.memory_space<hbm>> -> memref<1280xf32, #tpu.memory_space<hbm>>
      %dma_start3A_40 = arith.constant 0 : i32
      %dma_start3A_41 = tpu.memref_slice %arg10[%add3A_17, %run_scoped3A_18, %dma_start3A_40] : memref<128x8x1280xf32, #tpu.memory_space<hbm>> -> memref<1x1x1280xf32, #tpu.memory_space<hbm>>
      %dma_start3A_42 = tpu.memref_squeeze %dma_start3A_41 : memref<1x1x1280xf32, #tpu.memory_space<hbm>> -> memref<1280xf32, #tpu.memory_space<hbm>>
      %dma_start3A_43 = arith.constant 1280 : i32
      %dma_start3A_44 = tpu.memref_slice %arg19[%dma_start3A_43] : memref<5120xf32, #tpu.memory_space<vmem>> -> memref<1280xf32, #tpu.memory_space<vmem>>
      tpu.enqueue_dma source(%dma_start3A_44 : memref<1280xf32, #tpu.memory_space<vmem>>) target(%dma_start3A_42 : memref<1280xf32, #tpu.memory_space<hbm>>) target_semaphore(%run_scoped3A_35 : memref<!tpu.dma_semaphore, #tpu.memory_space<semaphore_mem>>)
      %dma_wait3A = arith.constant 1280 : i32
      %dma_wait3A_45 = tpu.memref_slice %arg19[%dma_wait3A] : memref<5120xf32, #tpu.memory_space<vmem>> -> memref<1280xf32, #tpu.memory_space<vmem>>
      %dma_wait3A_46 = arith.constant 0 : i32
      %dma_wait3A_47 = tpu.memref_slice %arg10[%add3A_17, %run_scoped3A_18, %dma_wait3A_46] : memref<128x8x1280xf32, #tpu.memory_space<hbm>> -> memref<1x1x1280xf32, #tpu.memory_space<hbm>>
      %dma_wait3A_48 = tpu.memref_squeeze %dma_wait3A_47 : memref<1x1x1280xf32, #tpu.memory_space<hbm>> -> memref<1280xf32, #tpu.memory_space<hbm>>
      %dma_wait3A_49 = arith.constant 0 : i32
      %dma_wait3A_50 = tpu.memref_slice %arg10[%add3A_17, %run_scoped3A_18, %dma_wait3A_49] : memref<128x8x1280xf32, #tpu.memory_space<hbm>> -> memref<1x1x1280xf32, #tpu.memory_space<hbm>>
      %dma_wait3A_51 = tpu.memref_squeeze %dma_wait3A_50 : memref<1x1x1280xf32, #tpu.memory_space<hbm>> -> memref<1280xf32, #tpu.memory_space<hbm>>
      %dma_wait3A_52 = arith.constant 1280 : i32
      %dma_wait3A_53 = tpu.memref_slice %arg19[%dma_wait3A_52] : memref<5120xf32, #tpu.memory_space<vmem>> -> memref<1280xf32, #tpu.memory_space<vmem>>
      tpu.wait_dma2 semaphore(%run_scoped3A_35 : memref<!tpu.dma_semaphore, #tpu.memory_space<semaphore_mem>>) src(%dma_wait3A_53 : memref<1280xf32, #tpu.memory_space<vmem>>) dst(%dma_wait3A_51 : memref<1280xf32, #tpu.memory_space<hbm>>)
      tpu.yield
    }) : () -> ()
    %run_scoped3A_19 = arith.constant 1 : i32
    "tpu.region"() ({
      %run_scoped3A_35 = tpu.sem_alloc : memref<!tpu.dma_semaphore, #tpu.memory_space<semaphore_mem>>
      %dma_start3A = arith.constant 1280 : i32
      %dma_start3A_36 = tpu.memref_slice %arg20[%dma_start3A] : memref<5120xf32, #tpu.memory_space<vmem>> -> memref<1280xf32, #tpu.memory_space<vmem>>
      %dma_start3A_37 = arith.constant 0 : i32
      %dma_start3A_38 = tpu.memref_slice %arg10[%add3A_17, %run_scoped3A_19, %dma_start3A_37] : memref<128x8x1280xf32, #tpu.memory_space<hbm>> -> memref<1x1x1280xf32, #tpu.memory_space<hbm>>
      %dma_start3A_39 = tpu.memref_squeeze %dma_start3A_38 : memref<1x1x1280xf32, #tpu.memory_space<hbm>> -> memref<1280xf32, #tpu.memory_space<hbm>>
      %dma_start3A_40 = arith.constant 0 : i32
      %dma_start3A_41 = tpu.memref_slice %arg10[%add3A_17, %run_scoped3A_19, %dma_start3A_40] : memref<128x8x1280xf32, #tpu.memory_space<hbm>> -> memref<1x1x1280xf32, #tpu.memory_space<hbm>>
      %dma_start3A_42 = tpu.memref_squeeze %dma_start3A_41 : memref<1x1x1280xf32, #tpu.memory_space<hbm>> -> memref<1280xf32, #tpu.memory_space<hbm>>
      %dma_start3A_43 = arith.constant 1280 : i32
      %dma_start3A_44 = tpu.memref_slice %arg20[%dma_start3A_43] : memref<5120xf32, #tpu.memory_space<vmem>> -> memref<1280xf32, #tpu.memory_space<vmem>>
      tpu.enqueue_dma source(%dma_start3A_44 : memref<1280xf32, #tpu.memory_space<vmem>>) target(%dma_start3A_42 : memref<1280xf32, #tpu.memory_space<hbm>>) target_semaphore(%run_scoped3A_35 : memref<!tpu.dma_semaphore, #tpu.memory_space<semaphore_mem>>)
      %dma_wait3A = arith.constant 1280 : i32
      %dma_wait3A_45 = tpu.memref_slice %arg20[%dma_wait3A] : memref<5120xf32, #tpu.memory_space<vmem>> -> memref<1280xf32, #tpu.memory_space<vmem>>
      %dma_wait3A_46 = arith.constant 0 : i32
      %dma_wait3A_47 = tpu.memref_slice %arg10[%add3A_17, %run_scoped3A_19, %dma_wait3A_46] : memref<128x8x1280xf32, #tpu.memory_space<hbm>> -> memref<1x1x1280xf32, #tpu.memory_space<hbm>>
      %dma_wait3A_48 = tpu.memref_squeeze %dma_wait3A_47 : memref<1x1x1280xf32, #tpu.memory_space<hbm>> -> memref<1280xf32, #tpu.memory_space<hbm>>
      %dma_wait3A_49 = arith.constant 0 : i32
      %dma_wait3A_50 = tpu.memref_slice %arg10[%add3A_17, %run_scoped3A_19, %dma_wait3A_49] : memref<128x8x1280xf32, #tpu.memory_space<hbm>> -> memref<1x1x1280xf32, #tpu.memory_space<hbm>>
      %dma_wait3A_51 = tpu.memref_squeeze %dma_wait3A_50 : memref<1x1x1280xf32, #tpu.memory_space<hbm>> -> memref<1280xf32, #tpu.memory_space<hbm>>
      %dma_wait3A_52 = arith.constant 1280 : i32
      %dma_wait3A_53 = tpu.memref_slice %arg20[%dma_wait3A_52] : memref<5120xf32, #tpu.memory_space<vmem>> -> memref<1280xf32, #tpu.memory_space<vmem>>
      tpu.wait_dma2 semaphore(%run_scoped3A_35 : memref<!tpu.dma_semaphore, #tpu.memory_space<semaphore_mem>>) src(%dma_wait3A_53 : memref<1280xf32, #tpu.memory_space<vmem>>) dst(%dma_wait3A_51 : memref<1280xf32, #tpu.memory_space<hbm>>)
      tpu.yield
    }) : () -> ()
    %run_scoped3A_20 = arith.constant 2 : i32
    "tpu.region"() ({
      %run_scoped3A_35 = tpu.sem_alloc : memref<!tpu.dma_semaphore, #tpu.memory_space<semaphore_mem>>
      %dma_start3A = arith.constant 1280 : i32
      %dma_start3A_36 = tpu.memref_slice %arg21[%dma_start3A] : memref<5120xf32, #tpu.memory_space<vmem>> -> memref<1280xf32, #tpu.memory_space<vmem>>
      %dma_start3A_37 = arith.constant 0 : i32
      %dma_start3A_38 = tpu.memref_slice %arg10[%add3A_17, %run_scoped3A_20, %dma_start3A_37] : memref<128x8x1280xf32, #tpu.memory_space<hbm>> -> memref<1x1x1280xf32, #tpu.memory_space<hbm>>
      %dma_start3A_39 = tpu.memref_squeeze %dma_start3A_38 : memref<1x1x1280xf32, #tpu.memory_space<hbm>> -> memref<1280xf32, #tpu.memory_space<hbm>>
      %dma_start3A_40 = arith.constant 0 : i32
      %dma_start3A_41 = tpu.memref_slice %arg10[%add3A_17, %run_scoped3A_20, %dma_start3A_40] : memref<128x8x1280xf32, #tpu.memory_space<hbm>> -> memref<1x1x1280xf32, #tpu.memory_space<hbm>>
      %dma_start3A_42 = tpu.memref_squeeze %dma_start3A_41 : memref<1x1x1280xf32, #tpu.memory_space<hbm>> -> memref<1280xf32, #tpu.memory_space<hbm>>
      %dma_start3A_43 = arith.constant 1280 : i32
      %dma_start3A_44 = tpu.memref_slice %arg21[%dma_start3A_43] : memref<5120xf32, #tpu.memory_space<vmem>> -> memref<1280xf32, #tpu.memory_space<vmem>>
      tpu.enqueue_dma source(%dma_start3A_44 : memref<1280xf32, #tpu.memory_space<vmem>>) target(%dma_start3A_42 : memref<1280xf32, #tpu.memory_space<hbm>>) target_semaphore(%run_scoped3A_35 : memref<!tpu.dma_semaphore, #tpu.memory_space<semaphore_mem>>)
      %dma_wait3A = arith.constant 1280 : i32
      %dma_wait3A_45 = tpu.memref_slice %arg21[%dma_wait3A] : memref<5120xf32, #tpu.memory_space<vmem>> -> memref<1280xf32, #tpu.memory_space<vmem>>
      %dma_wait3A_46 = arith.constant 0 : i32
      %dma_wait3A_47 = tpu.memref_slice %arg10[%add3A_17, %run_scoped3A_20, %dma_wait3A_46] : memref<128x8x1280xf32, #tpu.memory_space<hbm>> -> memref<1x1x1280xf32, #tpu.memory_space<hbm>>
      %dma_wait3A_48 = tpu.memref_squeeze %dma_wait3A_47 : memref<1x1x1280xf32, #tpu.memory_space<hbm>> -> memref<1280xf32, #tpu.memory_space<hbm>>
      %dma_wait3A_49 = arith.constant 0 : i32
      %dma_wait3A_50 = tpu.memref_slice %arg10[%add3A_17, %run_scoped3A_20, %dma_wait3A_49] : memref<128x8x1280xf32, #tpu.memory_space<hbm>> -> memref<1x1x1280xf32, #tpu.memory_space<hbm>>
      %dma_wait3A_51 = tpu.memref_squeeze %dma_wait3A_50 : memref<1x1x1280xf32, #tpu.memory_space<hbm>> -> memref<1280xf32, #tpu.memory_space<hbm>>
      %dma_wait3A_52 = arith.constant 1280 : i32
      %dma_wait3A_53 = tpu.memref_slice %arg21[%dma_wait3A_52] : memref<5120xf32, #tpu.memory_space<vmem>> -> memref<1280xf32, #tpu.memory_space<vmem>>
      tpu.wait_dma2 semaphore(%run_scoped3A_35 : memref<!tpu.dma_semaphore, #tpu.memory_space<semaphore_mem>>) src(%dma_wait3A_53 : memref<1280xf32, #tpu.memory_space<vmem>>) dst(%dma_wait3A_51 : memref<1280xf32, #tpu.memory_space<hbm>>)
      tpu.yield
    }) : () -> ()
    %mul3A_21 = arith.constant 4 : i32
    %mul3A_22 = arith.muli %add3A, %mul3A_21 : i32
    %add3A_23 = arith.constant 2 : i32
    %add3A_24 = arith.addi %mul3A_22, %add3A_23 : i32
    %run_scoped3A_25 = arith.constant 0 : i32
    "tpu.region"() ({
      %run_scoped3A_35 = tpu.sem_alloc : memref<!tpu.dma_semaphore, #tpu.memory_space<semaphore_mem>>
      %dma_start3A = arith.constant 2560 : i32
      %dma_start3A_36 = tpu.memref_slice %arg19[%dma_start3A] : memref<5120xf32, #tpu.memory_space<vmem>> -> memref<1280xf32, #tpu.memory_space<vmem>>
      %dma_start3A_37 = arith.constant 0 : i32
      %dma_start3A_38 = tpu.memref_slice %arg10[%add3A_24, %run_scoped3A_25, %dma_start3A_37] : memref<128x8x1280xf32, #tpu.memory_space<hbm>> -> memref<1x1x1280xf32, #tpu.memory_space<hbm>>
      %dma_start3A_39 = tpu.memref_squeeze %dma_start3A_38 : memref<1x1x1280xf32, #tpu.memory_space<hbm>> -> memref<1280xf32, #tpu.memory_space<hbm>>
      %dma_start3A_40 = arith.constant 0 : i32
      %dma_start3A_41 = tpu.memref_slice %arg10[%add3A_24, %run_scoped3A_25, %dma_start3A_40] : memref<128x8x1280xf32, #tpu.memory_space<hbm>> -> memref<1x1x1280xf32, #tpu.memory_space<hbm>>
      %dma_start3A_42 = tpu.memref_squeeze %dma_start3A_41 : memref<1x1x1280xf32, #tpu.memory_space<hbm>> -> memref<1280xf32, #tpu.memory_space<hbm>>
      %dma_start3A_43 = arith.constant 2560 : i32
      %dma_start3A_44 = tpu.memref_slice %arg19[%dma_start3A_43] : memref<5120xf32, #tpu.memory_space<vmem>> -> memref<1280xf32, #tpu.memory_space<vmem>>
      tpu.enqueue_dma source(%dma_start3A_44 : memref<1280xf32, #tpu.memory_space<vmem>>) target(%dma_start3A_42 : memref<1280xf32, #tpu.memory_space<hbm>>) target_semaphore(%run_scoped3A_35 : memref<!tpu.dma_semaphore, #tpu.memory_space<semaphore_mem>>)
      %dma_wait3A = arith.constant 2560 : i32
      %dma_wait3A_45 = tpu.memref_slice %arg19[%dma_wait3A] : memref<5120xf32, #tpu.memory_space<vmem>> -> memref<1280xf32, #tpu.memory_space<vmem>>
      %dma_wait3A_46 = arith.constant 0 : i32
      %dma_wait3A_47 = tpu.memref_slice %arg10[%add3A_24, %run_scoped3A_25, %dma_wait3A_46] : memref<128x8x1280xf32, #tpu.memory_space<hbm>> -> memref<1x1x1280xf32, #tpu.memory_space<hbm>>
      %dma_wait3A_48 = tpu.memref_squeeze %dma_wait3A_47 : memref<1x1x1280xf32, #tpu.memory_space<hbm>> -> memref<1280xf32, #tpu.memory_space<hbm>>
      %dma_wait3A_49 = arith.constant 0 : i32
      %dma_wait3A_50 = tpu.memref_slice %arg10[%add3A_24, %run_scoped3A_25, %dma_wait3A_49] : memref<128x8x1280xf32, #tpu.memory_space<hbm>> -> memref<1x1x1280xf32, #tpu.memory_space<hbm>>
      %dma_wait3A_51 = tpu.memref_squeeze %dma_wait3A_50 : memref<1x1x1280xf32, #tpu.memory_space<hbm>> -> memref<1280xf32, #tpu.memory_space<hbm>>
      %dma_wait3A_52 = arith.constant 2560 : i32
      %dma_wait3A_53 = tpu.memref_slice %arg19[%dma_wait3A_52] : memref<5120xf32, #tpu.memory_space<vmem>> -> memref<1280xf32, #tpu.memory_space<vmem>>
      tpu.wait_dma2 semaphore(%run_scoped3A_35 : memref<!tpu.dma_semaphore, #tpu.memory_space<semaphore_mem>>) src(%dma_wait3A_53 : memref<1280xf32, #tpu.memory_space<vmem>>) dst(%dma_wait3A_51 : memref<1280xf32, #tpu.memory_space<hbm>>)
      tpu.yield
    }) : () -> ()
    %run_scoped3A_26 = arith.constant 1 : i32
    "tpu.region"() ({
      %run_scoped3A_35 = tpu.sem_alloc : memref<!tpu.dma_semaphore, #tpu.memory_space<semaphore_mem>>
      %dma_start3A = arith.constant 2560 : i32
      %dma_start3A_36 = tpu.memref_slice %arg20[%dma_start3A] : memref<5120xf32, #tpu.memory_space<vmem>> -> memref<1280xf32, #tpu.memory_space<vmem>>
      %dma_start3A_37 = arith.constant 0 : i32
      %dma_start3A_38 = tpu.memref_slice %arg10[%add3A_24, %run_scoped3A_26, %dma_start3A_37] : memref<128x8x1280xf32, #tpu.memory_space<hbm>> -> memref<1x1x1280xf32, #tpu.memory_space<hbm>>
      %dma_start3A_39 = tpu.memref_squeeze %dma_start3A_38 : memref<1x1x1280xf32, #tpu.memory_space<hbm>> -> memref<1280xf32, #tpu.memory_space<hbm>>
      %dma_start3A_40 = arith.constant 0 : i32
      %dma_start3A_41 = tpu.memref_slice %arg10[%add3A_24, %run_scoped3A_26, %dma_start3A_40] : memref<128x8x1280xf32, #tpu.memory_space<hbm>> -> memref<1x1x1280xf32, #tpu.memory_space<hbm>>
      %dma_start3A_42 = tpu.memref_squeeze %dma_start3A_41 : memref<1x1x1280xf32, #tpu.memory_space<hbm>> -> memref<1280xf32, #tpu.memory_space<hbm>>
      %dma_start3A_43 = arith.constant 2560 : i32
      %dma_start3A_44 = tpu.memref_slice %arg20[%dma_start3A_43] : memref<5120xf32, #tpu.memory_space<vmem>> -> memref<1280xf32, #tpu.memory_space<vmem>>
      tpu.enqueue_dma source(%dma_start3A_44 : memref<1280xf32, #tpu.memory_space<vmem>>) target(%dma_start3A_42 : memref<1280xf32, #tpu.memory_space<hbm>>) target_semaphore(%run_scoped3A_35 : memref<!tpu.dma_semaphore, #tpu.memory_space<semaphore_mem>>)
      %dma_wait3A = arith.constant 2560 : i32
      %dma_wait3A_45 = tpu.memref_slice %arg20[%dma_wait3A] : memref<5120xf32, #tpu.memory_space<vmem>> -> memref<1280xf32, #tpu.memory_space<vmem>>
      %dma_wait3A_46 = arith.constant 0 : i32
      %dma_wait3A_47 = tpu.memref_slice %arg10[%add3A_24, %run_scoped3A_26, %dma_wait3A_46] : memref<128x8x1280xf32, #tpu.memory_space<hbm>> -> memref<1x1x1280xf32, #tpu.memory_space<hbm>>
      %dma_wait3A_48 = tpu.memref_squeeze %dma_wait3A_47 : memref<1x1x1280xf32, #tpu.memory_space<hbm>> -> memref<1280xf32, #tpu.memory_space<hbm>>
      %dma_wait3A_49 = arith.constant 0 : i32
      %dma_wait3A_50 = tpu.memref_slice %arg10[%add3A_24, %run_scoped3A_26, %dma_wait3A_49] : memref<128x8x1280xf32, #tpu.memory_space<hbm>> -> memref<1x1x1280xf32, #tpu.memory_space<hbm>>
      %dma_wait3A_51 = tpu.memref_squeeze %dma_wait3A_50 : memref<1x1x1280xf32, #tpu.memory_space<hbm>> -> memref<1280xf32, #tpu.memory_space<hbm>>
      %dma_wait3A_52 = arith.constant 2560 : i32
      %dma_wait3A_53 = tpu.memref_slice %arg20[%dma_wait3A_52] : memref<5120xf32, #tpu.memory_space<vmem>> -> memref<1280xf32, #tpu.memory_space<vmem>>
      tpu.wait_dma2 semaphore(%run_scoped3A_35 : memref<!tpu.dma_semaphore, #tpu.memory_space<semaphore_mem>>) src(%dma_wait3A_53 : memref<1280xf32, #tpu.memory_space<vmem>>) dst(%dma_wait3A_51 : memref<1280xf32, #tpu.memory_space<hbm>>)
      tpu.yield
    }) : () -> ()
    %run_scoped3A_27 = arith.constant 2 : i32
    "tpu.region"() ({
      %run_scoped3A_35 = tpu.sem_alloc : memref<!tpu.dma_semaphore, #tpu.memory_space<semaphore_mem>>
      %dma_start3A = arith.constant 2560 : i32
      %dma_start3A_36 = tpu.memref_slice %arg21[%dma_start3A] : memref<5120xf32, #tpu.memory_space<vmem>> -> memref<1280xf32, #tpu.memory_space<vmem>>
      %dma_start3A_37 = arith.constant 0 : i32
      %dma_start3A_38 = tpu.memref_slice %arg10[%add3A_24, %run_scoped3A_27, %dma_start3A_37] : memref<128x8x1280xf32, #tpu.memory_space<hbm>> -> memref<1x1x1280xf32, #tpu.memory_space<hbm>>
      %dma_start3A_39 = tpu.memref_squeeze %dma_start3A_38 : memref<1x1x1280xf32, #tpu.memory_space<hbm>> -> memref<1280xf32, #tpu.memory_space<hbm>>
      %dma_start3A_40 = arith.constant 0 : i32
      %dma_start3A_41 = tpu.memref_slice %arg10[%add3A_24, %run_scoped3A_27, %dma_start3A_40] : memref<128x8x1280xf32, #tpu.memory_space<hbm>> -> memref<1x1x1280xf32, #tpu.memory_space<hbm>>
      %dma_start3A_42 = tpu.memref_squeeze %dma_start3A_41 : memref<1x1x1280xf32, #tpu.memory_space<hbm>> -> memref<1280xf32, #tpu.memory_space<hbm>>
      %dma_start3A_43 = arith.constant 2560 : i32
      %dma_start3A_44 = tpu.memref_slice %arg21[%dma_start3A_43] : memref<5120xf32, #tpu.memory_space<vmem>> -> memref<1280xf32, #tpu.memory_space<vmem>>
      tpu.enqueue_dma source(%dma_start3A_44 : memref<1280xf32, #tpu.memory_space<vmem>>) target(%dma_start3A_42 : memref<1280xf32, #tpu.memory_space<hbm>>) target_semaphore(%run_scoped3A_35 : memref<!tpu.dma_semaphore, #tpu.memory_space<semaphore_mem>>)
      %dma_wait3A = arith.constant 2560 : i32
      %dma_wait3A_45 = tpu.memref_slice %arg21[%dma_wait3A] : memref<5120xf32, #tpu.memory_space<vmem>> -> memref<1280xf32, #tpu.memory_space<vmem>>
      %dma_wait3A_46 = arith.constant 0 : i32
      %dma_wait3A_47 = tpu.memref_slice %arg10[%add3A_24, %run_scoped3A_27, %dma_wait3A_46] : memref<128x8x1280xf32, #tpu.memory_space<hbm>> -> memref<1x1x1280xf32, #tpu.memory_space<hbm>>
      %dma_wait3A_48 = tpu.memref_squeeze %dma_wait3A_47 : memref<1x1x1280xf32, #tpu.memory_space<hbm>> -> memref<1280xf32, #tpu.memory_space<hbm>>
      %dma_wait3A_49 = arith.constant 0 : i32
      %dma_wait3A_50 = tpu.memref_slice %arg10[%add3A_24, %run_scoped3A_27, %dma_wait3A_49] : memref<128x8x1280xf32, #tpu.memory_space<hbm>> -> memref<1x1x1280xf32, #tpu.memory_space<hbm>>
      %dma_wait3A_51 = tpu.memref_squeeze %dma_wait3A_50 : memref<1x1x1280xf32, #tpu.memory_space<hbm>> -> memref<1280xf32, #tpu.memory_space<hbm>>
      %dma_wait3A_52 = arith.constant 2560 : i32
      %dma_wait3A_53 = tpu.memref_slice %arg21[%dma_wait3A_52] : memref<5120xf32, #tpu.memory_space<vmem>> -> memref<1280xf32, #tpu.memory_space<vmem>>
      tpu.wait_dma2 semaphore(%run_scoped3A_35 : memref<!tpu.dma_semaphore, #tpu.memory_space<semaphore_mem>>) src(%dma_wait3A_53 : memref<1280xf32, #tpu.memory_space<vmem>>) dst(%dma_wait3A_51 : memref<1280xf32, #tpu.memory_space<hbm>>)
      tpu.yield
    }) : () -> ()
    %mul3A_28 = arith.constant 4 : i32
    %mul3A_29 = arith.muli %add3A, %mul3A_28 : i32
    %add3A_30 = arith.constant 3 : i32
    %add3A_31 = arith.addi %mul3A_29, %add3A_30 : i32
    %run_scoped3A_32 = arith.constant 0 : i32
    "tpu.region"() ({
      %run_scoped3A_35 = tpu.sem_alloc : memref<!tpu.dma_semaphore, #tpu.memory_space<semaphore_mem>>
      %dma_start3A = arith.constant 3840 : i32
      %dma_start3A_36 = tpu.memref_slice %arg19[%dma_start3A] : memref<5120xf32, #tpu.memory_space<vmem>> -> memref<1280xf32, #tpu.memory_space<vmem>>
      %dma_start3A_37 = arith.constant 0 : i32
      %dma_start3A_38 = tpu.memref_slice %arg10[%add3A_31, %run_scoped3A_32, %dma_start3A_37] : memref<128x8x1280xf32, #tpu.memory_space<hbm>> -> memref<1x1x1280xf32, #tpu.memory_space<hbm>>
      %dma_start3A_39 = tpu.memref_squeeze %dma_start3A_38 : memref<1x1x1280xf32, #tpu.memory_space<hbm>> -> memref<1280xf32, #tpu.memory_space<hbm>>
      %dma_start3A_40 = arith.constant 0 : i32
      %dma_start3A_41 = tpu.memref_slice %arg10[%add3A_31, %run_scoped3A_32, %dma_start3A_40] : memref<128x8x1280xf32, #tpu.memory_space<hbm>> -> memref<1x1x1280xf32, #tpu.memory_space<hbm>>
      %dma_start3A_42 = tpu.memref_squeeze %dma_start3A_41 : memref<1x1x1280xf32, #tpu.memory_space<hbm>> -> memref<1280xf32, #tpu.memory_space<hbm>>
      %dma_start3A_43 = arith.constant 3840 : i32
      %dma_start3A_44 = tpu.memref_slice %arg19[%dma_start3A_43] : memref<5120xf32, #tpu.memory_space<vmem>> -> memref<1280xf32, #tpu.memory_space<vmem>>
      tpu.enqueue_dma source(%dma_start3A_44 : memref<1280xf32, #tpu.memory_space<vmem>>) target(%dma_start3A_42 : memref<1280xf32, #tpu.memory_space<hbm>>) target_semaphore(%run_scoped3A_35 : memref<!tpu.dma_semaphore, #tpu.memory_space<semaphore_mem>>)
      %dma_wait3A = arith.constant 3840 : i32
      %dma_wait3A_45 = tpu.memref_slice %arg19[%dma_wait3A] : memref<5120xf32, #tpu.memory_space<vmem>> -> memref<1280xf32, #tpu.memory_space<vmem>>
      %dma_wait3A_46 = arith.constant 0 : i32
      %dma_wait3A_47 = tpu.memref_slice %arg10[%add3A_31, %run_scoped3A_32, %dma_wait3A_46] : memref<128x8x1280xf32, #tpu.memory_space<hbm>> -> memref<1x1x1280xf32, #tpu.memory_space<hbm>>
      %dma_wait3A_48 = tpu.memref_squeeze %dma_wait3A_47 : memref<1x1x1280xf32, #tpu.memory_space<hbm>> -> memref<1280xf32, #tpu.memory_space<hbm>>
      %dma_wait3A_49 = arith.constant 0 : i32
      %dma_wait3A_50 = tpu.memref_slice %arg10[%add3A_31, %run_scoped3A_32, %dma_wait3A_49] : memref<128x8x1280xf32, #tpu.memory_space<hbm>> -> memref<1x1x1280xf32, #tpu.memory_space<hbm>>
      %dma_wait3A_51 = tpu.memref_squeeze %dma_wait3A_50 : memref<1x1x1280xf32, #tpu.memory_space<hbm>> -> memref<1280xf32, #tpu.memory_space<hbm>>
      %dma_wait3A_52 = arith.constant 3840 : i32
      %dma_wait3A_53 = tpu.memref_slice %arg19[%dma_wait3A_52] : memref<5120xf32, #tpu.memory_space<vmem>> -> memref<1280xf32, #tpu.memory_space<vmem>>
      tpu.wait_dma2 semaphore(%run_scoped3A_35 : memref<!tpu.dma_semaphore, #tpu.memory_space<semaphore_mem>>) src(%dma_wait3A_53 : memref<1280xf32, #tpu.memory_space<vmem>>) dst(%dma_wait3A_51 : memref<1280xf32, #tpu.memory_space<hbm>>)
      tpu.yield
    }) : () -> ()
    %run_scoped3A_33 = arith.constant 1 : i32
    "tpu.region"() ({
      %run_scoped3A_35 = tpu.sem_alloc : memref<!tpu.dma_semaphore, #tpu.memory_space<semaphore_mem>>
      %dma_start3A = arith.constant 3840 : i32
      %dma_start3A_36 = tpu.memref_slice %arg20[%dma_start3A] : memref<5120xf32, #tpu.memory_space<vmem>> -> memref<1280xf32, #tpu.memory_space<vmem>>
      %dma_start3A_37 = arith.constant 0 : i32
      %dma_start3A_38 = tpu.memref_slice %arg10[%add3A_31, %run_scoped3A_33, %dma_start3A_37] : memref<128x8x1280xf32, #tpu.memory_space<hbm>> -> memref<1x1x1280xf32, #tpu.memory_space<hbm>>
      %dma_start3A_39 = tpu.memref_squeeze %dma_start3A_38 : memref<1x1x1280xf32, #tpu.memory_space<hbm>> -> memref<1280xf32, #tpu.memory_space<hbm>>
      %dma_start3A_40 = arith.constant 0 : i32
      %dma_start3A_41 = tpu.memref_slice %arg10[%add3A_31, %run_scoped3A_33, %dma_start3A_40] : memref<128x8x1280xf32, #tpu.memory_space<hbm>> -> memref<1x1x1280xf32, #tpu.memory_space<hbm>>
      %dma_start3A_42 = tpu.memref_squeeze %dma_start3A_41 : memref<1x1x1280xf32, #tpu.memory_space<hbm>> -> memref<1280xf32, #tpu.memory_space<hbm>>
      %dma_start3A_43 = arith.constant 3840 : i32
      %dma_start3A_44 = tpu.memref_slice %arg20[%dma_start3A_43] : memref<5120xf32, #tpu.memory_space<vmem>> -> memref<1280xf32, #tpu.memory_space<vmem>>
      tpu.enqueue_dma source(%dma_start3A_44 : memref<1280xf32, #tpu.memory_space<vmem>>) target(%dma_start3A_42 : memref<1280xf32, #tpu.memory_space<hbm>>) target_semaphore(%run_scoped3A_35 : memref<!tpu.dma_semaphore, #tpu.memory_space<semaphore_mem>>)
      %dma_wait3A = arith.constant 3840 : i32
      %dma_wait3A_45 = tpu.memref_slice %arg20[%dma_wait3A] : memref<5120xf32, #tpu.memory_space<vmem>> -> memref<1280xf32, #tpu.memory_space<vmem>>
      %dma_wait3A_46 = arith.constant 0 : i32
      %dma_wait3A_47 = tpu.memref_slice %arg10[%add3A_31, %run_scoped3A_33, %dma_wait3A_46] : memref<128x8x1280xf32, #tpu.memory_space<hbm>> -> memref<1x1x1280xf32, #tpu.memory_space<hbm>>
      %dma_wait3A_48 = tpu.memref_squeeze %dma_wait3A_47 : memref<1x1x1280xf32, #tpu.memory_space<hbm>> -> memref<1280xf32, #tpu.memory_space<hbm>>
      %dma_wait3A_49 = arith.constant 0 : i32
      %dma_wait3A_50 = tpu.memref_slice %arg10[%add3A_31, %run_scoped3A_33, %dma_wait3A_49] : memref<128x8x1280xf32, #tpu.memory_space<hbm>> -> memref<1x1x1280xf32, #tpu.memory_space<hbm>>
      %dma_wait3A_51 = tpu.memref_squeeze %dma_wait3A_50 : memref<1x1x1280xf32, #tpu.memory_space<hbm>> -> memref<1280xf32, #tpu.memory_space<hbm>>
      %dma_wait3A_52 = arith.constant 3840 : i32
      %dma_wait3A_53 = tpu.memref_slice %arg20[%dma_wait3A_52] : memref<5120xf32, #tpu.memory_space<vmem>> -> memref<1280xf32, #tpu.memory_space<vmem>>
      tpu.wait_dma2 semaphore(%run_scoped3A_35 : memref<!tpu.dma_semaphore, #tpu.memory_space<semaphore_mem>>) src(%dma_wait3A_53 : memref<1280xf32, #tpu.memory_space<vmem>>) dst(%dma_wait3A_51 : memref<1280xf32, #tpu.memory_space<hbm>>)
      tpu.yield
    }) : () -> ()
    %run_scoped3A_34 = arith.constant 2 : i32
    "tpu.region"() ({
      %run_scoped3A_35 = tpu.sem_alloc : memref<!tpu.dma_semaphore, #tpu.memory_space<semaphore_mem>>
      %dma_start3A = arith.constant 3840 : i32
      %dma_start3A_36 = tpu.memref_slice %arg21[%dma_start3A] : memref<5120xf32, #tpu.memory_space<vmem>> -> memref<1280xf32, #tpu.memory_space<vmem>>
      %dma_start3A_37 = arith.constant 0 : i32
      %dma_start3A_38 = tpu.memref_slice %arg10[%add3A_31, %run_scoped3A_34, %dma_start3A_37] : memref<128x8x1280xf32, #tpu.memory_space<hbm>> -> memref<1x1x1280xf32, #tpu.memory_space<hbm>>
      %dma_start3A_39 = tpu.memref_squeeze %dma_start3A_38 : memref<1x1x1280xf32, #tpu.memory_space<hbm>> -> memref<1280xf32, #tpu.memory_space<hbm>>
      %dma_start3A_40 = arith.constant 0 : i32
      %dma_start3A_41 = tpu.memref_slice %arg10[%add3A_31, %run_scoped3A_34, %dma_start3A_40] : memref<128x8x1280xf32, #tpu.memory_space<hbm>> -> memref<1x1x1280xf32, #tpu.memory_space<hbm>>
      %dma_start3A_42 = tpu.memref_squeeze %dma_start3A_41 : memref<1x1x1280xf32, #tpu.memory_space<hbm>> -> memref<1280xf32, #tpu.memory_space<hbm>>
      %dma_start3A_43 = arith.constant 3840 : i32
      %dma_start3A_44 = tpu.memref_slice %arg21[%dma_start3A_43] : memref<5120xf32, #tpu.memory_space<vmem>> -> memref<1280xf32, #tpu.memory_space<vmem>>
      tpu.enqueue_dma source(%dma_start3A_44 : memref<1280xf32, #tpu.memory_space<vmem>>) target(%dma_start3A_42 : memref<1280xf32, #tpu.memory_space<hbm>>) target_semaphore(%run_scoped3A_35 : memref<!tpu.dma_semaphore, #tpu.memory_space<semaphore_mem>>)
      %dma_wait3A = arith.constant 3840 : i32
      %dma_wait3A_45 = tpu.memref_slice %arg21[%dma_wait3A] : memref<5120xf32, #tpu.memory_space<vmem>> -> memref<1280xf32, #tpu.memory_space<vmem>>
      %dma_wait3A_46 = arith.constant 0 : i32
      %dma_wait3A_47 = tpu.memref_slice %arg10[%add3A_31, %run_scoped3A_34, %dma_wait3A_46] : memref<128x8x1280xf32, #tpu.memory_space<hbm>> -> memref<1x1x1280xf32, #tpu.memory_space<hbm>>
      %dma_wait3A_48 = tpu.memref_squeeze %dma_wait3A_47 : memref<1x1x1280xf32, #tpu.memory_space<hbm>> -> memref<1280xf32, #tpu.memory_space<hbm>>
      %dma_wait3A_49 = arith.constant 0 : i32
      %dma_wait3A_50 = tpu.memref_slice %arg10[%add3A_31, %run_scoped3A_34, %dma_wait3A_49] : memref<128x8x1280xf32, #tpu.memory_space<hbm>> -> memref<1x1x1280xf32, #tpu.memory_space<hbm>>
      %dma_wait3A_51 = tpu.memref_squeeze %dma_wait3A_50 : memref<1x1x1280xf32, #tpu.memory_space<hbm>> -> memref<1280xf32, #tpu.memory_space<hbm>>
      %dma_wait3A_52 = arith.constant 3840 : i32
      %dma_wait3A_53 = tpu.memref_slice %arg21[%dma_wait3A_52] : memref<5120xf32, #tpu.memory_space<vmem>> -> memref<1280xf32, #tpu.memory_space<vmem>>
      tpu.wait_dma2 semaphore(%run_scoped3A_35 : memref<!tpu.dma_semaphore, #tpu.memory_space<semaphore_mem>>) src(%dma_wait3A_53 : memref<1280xf32, #tpu.memory_space<vmem>>) dst(%dma_wait3A_51 : memref<1280xf32, #tpu.memory_space<hbm>>)
      tpu.yield
    }) : () -> ()
    return
  }
}

module attributes {stable_mosaic.version = 14 : i64} {
  func.func @_edge_body(%arg0: i32, %arg1: memref<1x8x1280xf32, #tpu.memory_space<vmem>>, %arg2: memref<32x512xf32, #tpu.memory_space<vmem>>, %arg3: memref<1280x512xf32, #tpu.memory_space<vmem>>, %arg4: memref<1280x128xf32, #tpu.memory_space<vmem>>) attributes {dimension_semantics = [#tpu.dimension_semantics<arbitrary>], iteration_bounds = array<i64: 125>, scalar_prefetch = 0 : i64, scratch_operands = 0 : i64, tpu.core_type = #tpu.core_type<tc>, window_params = [{transform_indices = @transform_0, window_bounds = array<i64: 1, 8, 1280>}, {pipeline_mode = #tpu.pipeline_mode<synchronous>, transform_indices = @transform_1, window_bounds = array<i64: 32, 512>}, {transform_indices = @transform_2, window_bounds = array<i64: 1280, 512>}, {transform_indices = @transform_3, window_bounds = array<i64: 1280, 128>}]} {
    %get3A = arith.constant 0 : index
    %get3A_0 = arith.constant 0 : index
    %get3A_1 = arith.constant 0 : index
    %get3A_2 = vector.load %arg1[%get3A, %get3A_0, %get3A_1] : memref<1x8x1280xf32, #tpu.memory_space<vmem>>, vector<1x8x1280xf32>
    %get3A_3 = vector.shape_cast %get3A_2 : vector<1x8x1280xf32> to vector<8x1280xf32>
    %slice3A = vector.extract_strided_slice %get3A_3 {offsets = [0, 0], sizes = [1, 1280], strides = [1, 1]} : vector<8x1280xf32> to vector<1x1280xf32>
    %slice3A_4 = vector.extract_strided_slice %get3A_3 {offsets = [1, 0], sizes = [1, 1280], strides = [1, 1]} : vector<8x1280xf32> to vector<1x1280xf32>
    %slice3A_5 = vector.extract_strided_slice %get3A_3 {offsets = [2, 0], sizes = [1, 1280], strides = [1, 1]} : vector<8x1280xf32> to vector<1x1280xf32>
    %mul3A = arith.mulf %slice3A, %slice3A : vector<1x1280xf32>
    %mul3A_6 = arith.mulf %slice3A_4, %slice3A_4 : vector<1x1280xf32>
    %add3A = arith.addf %mul3A, %mul3A_6 : vector<1x1280xf32>
    %mul3A_7 = arith.mulf %slice3A_5, %slice3A_5 : vector<1x1280xf32>
    %add3A_8 = arith.addf %add3A, %mul3A_7 : vector<1x1280xf32>
    %sqrt3A = math.sqrt %add3A_8 : vector<1x1280xf32>
    %div3A = arith.constant 1.000000e+00 : f32
    %div3A_9 = vector.broadcast %div3A : f32 to vector<1x1280xf32>
    %div3A_10 = arith.divf %div3A_9, %sqrt3A : vector<1x1280xf32>
    %mul3A_11 = arith.mulf %slice3A_4, %div3A_10 : vector<1x1280xf32>
    %mul3A_12 = arith.mulf %slice3A_5, %div3A_10 : vector<1x1280xf32>
    %mul3A_13 = arith.mulf %slice3A, %div3A_10 : vector<1x1280xf32>
    %broadcast_in_dim3A = arith.constant 1.000000e+00 : f32
    %broadcast_in_dim3A_14 = vector.broadcast %broadcast_in_dim3A : f32 to vector<1x1280xf32>
    %mul3A_15 = arith.constant 1.73205078 : f32
    %mul3A_16 = vector.broadcast %mul3A_15 : f32 to vector<1x1280xf32>
    %mul3A_17 = arith.mulf %mul3A_16, %mul3A_11 : vector<1x1280xf32>
    %mul3A_18 = arith.constant 1.73205078 : f32
    %mul3A_19 = vector.broadcast %mul3A_18 : f32 to vector<1x1280xf32>
    %mul3A_20 = arith.mulf %mul3A_19, %mul3A_12 : vector<1x1280xf32>
    %mul3A_21 = arith.constant 1.73205078 : f32
    %mul3A_22 = vector.broadcast %mul3A_21 : f32 to vector<1x1280xf32>
    %mul3A_23 = arith.mulf %mul3A_22, %mul3A_13 : vector<1x1280xf32>
    %mul3A_24 = arith.constant 3.87298346 : f32
    %mul3A_25 = vector.broadcast %mul3A_24 : f32 to vector<1x1280xf32>
    %mul3A_26 = arith.mulf %mul3A_25, %mul3A_11 : vector<1x1280xf32>
    %mul3A_27 = arith.mulf %mul3A_26, %mul3A_13 : vector<1x1280xf32>
    %mul3A_28 = arith.constant 3.87298346 : f32
    %mul3A_29 = vector.broadcast %mul3A_28 : f32 to vector<1x1280xf32>
    %mul3A_30 = arith.mulf %mul3A_29, %mul3A_11 : vector<1x1280xf32>
    %mul3A_31 = arith.mulf %mul3A_30, %mul3A_12 : vector<1x1280xf32>
    %mul3A_32 = arith.mulf %mul3A_12, %mul3A_12 : vector<1x1280xf32>
    %mul3A_33 = arith.mulf %mul3A_11, %mul3A_11 : vector<1x1280xf32>
    %mul3A_34 = arith.mulf %mul3A_13, %mul3A_13 : vector<1x1280xf32>
    %add3A_35 = arith.addf %mul3A_33, %mul3A_34 : vector<1x1280xf32>
    %mul3A_36 = arith.constant 5.000000e-01 : f32
    %mul3A_37 = vector.broadcast %mul3A_36 : f32 to vector<1x1280xf32>
    %mul3A_38 = arith.mulf %mul3A_37, %add3A_35 : vector<1x1280xf32>
    %sub3A = arith.subf %mul3A_32, %mul3A_38 : vector<1x1280xf32>
    %mul3A_39 = arith.constant 2.23606801 : f32
    %mul3A_40 = vector.broadcast %mul3A_39 : f32 to vector<1x1280xf32>
    %mul3A_41 = arith.mulf %mul3A_40, %sub3A : vector<1x1280xf32>
    %mul3A_42 = arith.constant 3.87298346 : f32
    %mul3A_43 = vector.broadcast %mul3A_42 : f32 to vector<1x1280xf32>
    %mul3A_44 = arith.mulf %mul3A_43, %mul3A_12 : vector<1x1280xf32>
    %mul3A_45 = arith.mulf %mul3A_44, %mul3A_13 : vector<1x1280xf32>
    %mul3A_46 = arith.mulf %mul3A_13, %mul3A_13 : vector<1x1280xf32>
    %mul3A_47 = arith.mulf %mul3A_11, %mul3A_11 : vector<1x1280xf32>
    %sub3A_48 = arith.subf %mul3A_46, %mul3A_47 : vector<1x1280xf32>
    %mul3A_49 = arith.constant 1.93649173 : f32
    %mul3A_50 = vector.broadcast %mul3A_49 : f32 to vector<1x1280xf32>
    %mul3A_51 = arith.mulf %mul3A_50, %sub3A_48 : vector<1x1280xf32>
    %mul3A_52 = arith.constant 0.628318548 : f32
    %mul3A_53 = vector.broadcast %mul3A_52 : f32 to vector<1x1280xf32>
    %mul3A_54 = arith.mulf %sqrt3A, %mul3A_53 : vector<1x1280xf32>
    %sin3A = math.sin %mul3A_54 : vector<1x1280xf32>
    %cos3A = math.cos %mul3A_54 : vector<1x1280xf32>
    %add3A_55 = arith.addf %cos3A, %cos3A : vector<1x1280xf32>
    %broadcast_in_dim3A_56 = arith.constant 0.000000e+00 : f32
    %broadcast_in_dim3A_57 = vector.broadcast %broadcast_in_dim3A_56 : f32 to vector<1x1280xf32>
    %mul3A_58 = arith.constant 0.632455527 : f32
    %mul3A_59 = vector.broadcast %mul3A_58 : f32 to vector<1x1280xf32>
    %mul3A_60 = arith.mulf %mul3A_59, %sin3A : vector<1x1280xf32>
    %mul3A_61 = arith.mulf %mul3A_60, %div3A_10 : vector<1x1280xf32>
    %mul3A_62 = arith.mulf %add3A_55, %sin3A : vector<1x1280xf32>
    %sub3A_63 = arith.subf %mul3A_62, %broadcast_in_dim3A_57 : vector<1x1280xf32>
    %mul3A_64 = arith.constant 0.632455527 : f32
    %mul3A_65 = vector.broadcast %mul3A_64 : f32 to vector<1x1280xf32>
    %mul3A_66 = arith.mulf %mul3A_65, %sub3A_63 : vector<1x1280xf32>
    %mul3A_67 = arith.mulf %mul3A_66, %div3A_10 : vector<1x1280xf32>
    %mul3A_68 = arith.mulf %add3A_55, %sub3A_63 : vector<1x1280xf32>
    %sub3A_69 = arith.subf %mul3A_68, %sin3A : vector<1x1280xf32>
    %mul3A_70 = arith.constant 0.632455527 : f32
    %mul3A_71 = vector.broadcast %mul3A_70 : f32 to vector<1x1280xf32>
    %mul3A_72 = arith.mulf %mul3A_71, %sub3A_69 : vector<1x1280xf32>
    %mul3A_73 = arith.mulf %mul3A_72, %div3A_10 : vector<1x1280xf32>
    %mul3A_74 = arith.mulf %add3A_55, %sub3A_69 : vector<1x1280xf32>
    %sub3A_75 = arith.subf %mul3A_74, %sub3A_63 : vector<1x1280xf32>
    %mul3A_76 = arith.constant 0.632455527 : f32
    %mul3A_77 = vector.broadcast %mul3A_76 : f32 to vector<1x1280xf32>
    %mul3A_78 = arith.mulf %mul3A_77, %sub3A_75 : vector<1x1280xf32>
    %mul3A_79 = arith.mulf %mul3A_78, %div3A_10 : vector<1x1280xf32>
    %mul3A_80 = arith.mulf %add3A_55, %sub3A_75 : vector<1x1280xf32>
    %sub3A_81 = arith.subf %mul3A_80, %sub3A_69 : vector<1x1280xf32>
    %mul3A_82 = arith.constant 0.632455527 : f32
    %mul3A_83 = vector.broadcast %mul3A_82 : f32 to vector<1x1280xf32>
    %mul3A_84 = arith.mulf %mul3A_83, %sub3A_81 : vector<1x1280xf32>
    %mul3A_85 = arith.mulf %mul3A_84, %div3A_10 : vector<1x1280xf32>
    %mul3A_86 = arith.mulf %add3A_55, %sub3A_81 : vector<1x1280xf32>
    %sub3A_87 = arith.subf %mul3A_86, %sub3A_75 : vector<1x1280xf32>
    %mul3A_88 = arith.constant 0.632455527 : f32
    %mul3A_89 = vector.broadcast %mul3A_88 : f32 to vector<1x1280xf32>
    %mul3A_90 = arith.mulf %mul3A_89, %sub3A_87 : vector<1x1280xf32>
    %mul3A_91 = arith.mulf %mul3A_90, %div3A_10 : vector<1x1280xf32>
    %mul3A_92 = arith.mulf %add3A_55, %sub3A_87 : vector<1x1280xf32>
    %sub3A_93 = arith.subf %mul3A_92, %sub3A_81 : vector<1x1280xf32>
    %mul3A_94 = arith.constant 0.632455527 : f32
    %mul3A_95 = vector.broadcast %mul3A_94 : f32 to vector<1x1280xf32>
    %mul3A_96 = arith.mulf %mul3A_95, %sub3A_93 : vector<1x1280xf32>
    %mul3A_97 = arith.mulf %mul3A_96, %div3A_10 : vector<1x1280xf32>
    %mul3A_98 = arith.mulf %add3A_55, %sub3A_93 : vector<1x1280xf32>
    %sub3A_99 = arith.subf %mul3A_98, %sub3A_87 : vector<1x1280xf32>
    %mul3A_100 = arith.constant 0.632455527 : f32
    %mul3A_101 = vector.broadcast %mul3A_100 : f32 to vector<1x1280xf32>
    %mul3A_102 = arith.mulf %mul3A_101, %sub3A_99 : vector<1x1280xf32>
    %mul3A_103 = arith.mulf %mul3A_102, %div3A_10 : vector<1x1280xf32>
    %mul3A_104 = arith.mulf %add3A_55, %sub3A_99 : vector<1x1280xf32>
    %sub3A_105 = arith.subf %mul3A_104, %sub3A_93 : vector<1x1280xf32>
    %mul3A_106 = arith.constant 0.632455527 : f32
    %mul3A_107 = vector.broadcast %mul3A_106 : f32 to vector<1x1280xf32>
    %mul3A_108 = arith.mulf %mul3A_107, %sub3A_105 : vector<1x1280xf32>
    %mul3A_109 = arith.mulf %mul3A_108, %div3A_10 : vector<1x1280xf32>
    %mul3A_110 = arith.mulf %add3A_55, %sub3A_105 : vector<1x1280xf32>
    %sub3A_111 = arith.subf %mul3A_110, %sub3A_99 : vector<1x1280xf32>
    %mul3A_112 = arith.constant 0.632455527 : f32
    %mul3A_113 = vector.broadcast %mul3A_112 : f32 to vector<1x1280xf32>
    %mul3A_114 = arith.mulf %mul3A_113, %sub3A_111 : vector<1x1280xf32>
    %mul3A_115 = arith.mulf %mul3A_114, %div3A_10 : vector<1x1280xf32>
    %mul3A_116 = arith.mulf %add3A_55, %sub3A_111 : vector<1x1280xf32>
    %sub3A_117 = arith.subf %mul3A_116, %sub3A_105 : vector<1x1280xf32>
    %mul3A_118 = arith.constant 0.632455527 : f32
    %mul3A_119 = vector.broadcast %mul3A_118 : f32 to vector<1x1280xf32>
    %mul3A_120 = arith.mulf %mul3A_119, %sub3A_117 : vector<1x1280xf32>
    %mul3A_121 = arith.mulf %mul3A_120, %div3A_10 : vector<1x1280xf32>
    %mul3A_122 = arith.mulf %add3A_55, %sub3A_117 : vector<1x1280xf32>
    %sub3A_123 = arith.subf %mul3A_122, %sub3A_111 : vector<1x1280xf32>
    %mul3A_124 = arith.constant 0.632455527 : f32
    %mul3A_125 = vector.broadcast %mul3A_124 : f32 to vector<1x1280xf32>
    %mul3A_126 = arith.mulf %mul3A_125, %sub3A_123 : vector<1x1280xf32>
    %mul3A_127 = arith.mulf %mul3A_126, %div3A_10 : vector<1x1280xf32>
    %mul3A_128 = arith.mulf %add3A_55, %sub3A_123 : vector<1x1280xf32>
    %sub3A_129 = arith.subf %mul3A_128, %sub3A_117 : vector<1x1280xf32>
    %mul3A_130 = arith.constant 0.632455527 : f32
    %mul3A_131 = vector.broadcast %mul3A_130 : f32 to vector<1x1280xf32>
    %mul3A_132 = arith.mulf %mul3A_131, %sub3A_129 : vector<1x1280xf32>
    %mul3A_133 = arith.mulf %mul3A_132, %div3A_10 : vector<1x1280xf32>
    %mul3A_134 = arith.mulf %add3A_55, %sub3A_129 : vector<1x1280xf32>
    %sub3A_135 = arith.subf %mul3A_134, %sub3A_123 : vector<1x1280xf32>
    %mul3A_136 = arith.constant 0.632455527 : f32
    %mul3A_137 = vector.broadcast %mul3A_136 : f32 to vector<1x1280xf32>
    %mul3A_138 = arith.mulf %mul3A_137, %sub3A_135 : vector<1x1280xf32>
    %mul3A_139 = arith.mulf %mul3A_138, %div3A_10 : vector<1x1280xf32>
    %mul3A_140 = arith.mulf %add3A_55, %sub3A_135 : vector<1x1280xf32>
    %sub3A_141 = arith.subf %mul3A_140, %sub3A_129 : vector<1x1280xf32>
    %mul3A_142 = arith.constant 0.632455527 : f32
    %mul3A_143 = vector.broadcast %mul3A_142 : f32 to vector<1x1280xf32>
    %mul3A_144 = arith.mulf %mul3A_143, %sub3A_141 : vector<1x1280xf32>
    %mul3A_145 = arith.mulf %mul3A_144, %div3A_10 : vector<1x1280xf32>
    %mul3A_146 = arith.mulf %add3A_55, %sub3A_141 : vector<1x1280xf32>
    %sub3A_147 = arith.subf %mul3A_146, %sub3A_135 : vector<1x1280xf32>
    %mul3A_148 = arith.constant 0.632455527 : f32
    %mul3A_149 = vector.broadcast %mul3A_148 : f32 to vector<1x1280xf32>
    %mul3A_150 = arith.mulf %mul3A_149, %sub3A_147 : vector<1x1280xf32>
    %mul3A_151 = arith.mulf %mul3A_150, %div3A_10 : vector<1x1280xf32>
    %mul3A_152 = arith.mulf %add3A_55, %sub3A_147 : vector<1x1280xf32>
    %sub3A_153 = arith.subf %mul3A_152, %sub3A_141 : vector<1x1280xf32>
    %mul3A_154 = arith.constant 0.632455527 : f32
    %mul3A_155 = vector.broadcast %mul3A_154 : f32 to vector<1x1280xf32>
    %mul3A_156 = arith.mulf %mul3A_155, %sub3A_153 : vector<1x1280xf32>
    %mul3A_157 = arith.mulf %mul3A_156, %div3A_10 : vector<1x1280xf32>
    %mul3A_158 = arith.mulf %add3A_55, %sub3A_153 : vector<1x1280xf32>
    %sub3A_159 = arith.subf %mul3A_158, %sub3A_147 : vector<1x1280xf32>
    %mul3A_160 = arith.constant 0.632455527 : f32
    %mul3A_161 = vector.broadcast %mul3A_160 : f32 to vector<1x1280xf32>
    %mul3A_162 = arith.mulf %mul3A_161, %sub3A_159 : vector<1x1280xf32>
    %mul3A_163 = arith.mulf %mul3A_162, %div3A_10 : vector<1x1280xf32>
    %mul3A_164 = arith.mulf %add3A_55, %sub3A_159 : vector<1x1280xf32>
    %sub3A_165 = arith.subf %mul3A_164, %sub3A_153 : vector<1x1280xf32>
    %mul3A_166 = arith.constant 0.632455527 : f32
    %mul3A_167 = vector.broadcast %mul3A_166 : f32 to vector<1x1280xf32>
    %mul3A_168 = arith.mulf %mul3A_167, %sub3A_165 : vector<1x1280xf32>
    %mul3A_169 = arith.mulf %mul3A_168, %div3A_10 : vector<1x1280xf32>
    %mul3A_170 = arith.mulf %add3A_55, %sub3A_165 : vector<1x1280xf32>
    %sub3A_171 = arith.subf %mul3A_170, %sub3A_159 : vector<1x1280xf32>
    %mul3A_172 = arith.constant 0.632455527 : f32
    %mul3A_173 = vector.broadcast %mul3A_172 : f32 to vector<1x1280xf32>
    %mul3A_174 = arith.mulf %mul3A_173, %sub3A_171 : vector<1x1280xf32>
    %mul3A_175 = arith.mulf %mul3A_174, %div3A_10 : vector<1x1280xf32>
    %add3A_176 = arith.constant 1.000000e+00 : f32
    %add3A_177 = vector.broadcast %add3A_176 : f32 to vector<1x1280xf32>
    %add3A_178 = arith.addf %cos3A, %add3A_177 : vector<1x1280xf32>
    %mul3A_179 = arith.constant 5.000000e-01 : f32
    %mul3A_180 = vector.broadcast %mul3A_179 : f32 to vector<1x1280xf32>
    %mul3A_181 = arith.mulf %mul3A_180, %add3A_178 : vector<1x1280xf32>
    %lt3A = arith.constant 5.000000e+00 : f32
    %lt3A_182 = vector.broadcast %lt3A : f32 to vector<1x1280xf32>
    %lt3A_183 = arith.cmpf olt, %sqrt3A, %lt3A_182 : vector<1x1280xf32>
    %convert_element_type3A = arith.extui %lt3A_183 : vector<1x1280xi1> to vector<1x1280xi32>
    %convert_element_type3A_184 = arith.sitofp %convert_element_type3A : vector<1x1280xi32> to vector<1x1280xf32>
    %mul3A_185 = arith.mulf %mul3A_181, %convert_element_type3A_184 : vector<1x1280xf32>
    %broadcast_in_dim3A_186 = arith.constant 0.000000e+00 : f32
    %broadcast_in_dim3A_187 = vector.broadcast %broadcast_in_dim3A_186 : f32 to vector<2x1280xf32>
    %concatenate3A = tpu.concatenate %broadcast_in_dim3A_14, %mul3A_17, %mul3A_20, %mul3A_23, %mul3A_27, %mul3A_31, %mul3A_41, %mul3A_45, %mul3A_51, %mul3A_61, %mul3A_67, %mul3A_73, %mul3A_79, %mul3A_85, %mul3A_91, %mul3A_97, %mul3A_103, %mul3A_109, %mul3A_115, %mul3A_121, %mul3A_127, %mul3A_133, %mul3A_139, %mul3A_145, %mul3A_151, %mul3A_157, %mul3A_163, %mul3A_169, %mul3A_175, %mul3A_185, %broadcast_in_dim3A_187 in 0 : vector<1x1280xf32>, vector<1x1280xf32>, vector<1x1280xf32>, vector<1x1280xf32>, vector<1x1280xf32>, vector<1x1280xf32>, vector<1x1280xf32>, vector<1x1280xf32>, vector<1x1280xf32>, vector<1x1280xf32>, vector<1x1280xf32>, vector<1x1280xf32>, vector<1x1280xf32>, vector<1x1280xf32>, vector<1x1280xf32>, vector<1x1280xf32>, vector<1x1280xf32>, vector<1x1280xf32>, vector<1x1280xf32>, vector<1x1280xf32>, vector<1x1280xf32>, vector<1x1280xf32>, vector<1x1280xf32>, vector<1x1280xf32>, vector<1x1280xf32>, vector<1x1280xf32>, vector<1x1280xf32>, vector<1x1280xf32>, vector<1x1280xf32>, vector<1x1280xf32>, vector<2x1280xf32> -> vector<32x1280xf32>
    %get3A_188 = arith.constant 0 : index
    %get3A_189 = arith.constant 0 : index
    %get3A_190 = vector.load %arg2[%get3A_188, %get3A_189] : memref<32x512xf32, #tpu.memory_space<vmem>>, vector<32x512xf32>
    %dot_general3A = arith.constant dense<0.000000e+00> : vector<1280x512xf32>
    %dot_general3A_191 = tpu.matmul %concatenate3A, %get3A_190, %dot_general3A {dimension_numbers = #tpu.dot_dimension_numbers<[0], [0], [1], [1], [0, 1, 1, 1], [], []>, transpose_lhs_hint = false} : vector<32x1280xf32>, vector<32x512xf32>, vector<1280x512xf32> -> vector<1280x512xf32>
    %swap3A = arith.constant 0 : index
    %swap3A_192 = arith.constant 0 : index
    %swap3A_193 = vector.load %arg3[%swap3A, %swap3A_192] : memref<1280x512xf32, #tpu.memory_space<vmem>>, vector<1280x512xf32>
    tpu.vector_store %arg3[%swap3A, %swap3A_192], %dot_general3A_191 {strides = array<i32>} : memref<1280x512xf32, #tpu.memory_space<vmem>>, vector<1280x512xf32>,
    %slice3A_194 = vector.extract_strided_slice %dot_general3A_191 {offsets = [0, 480], sizes = [1280, 32], strides = [1, 1]} : vector<1280x512xf32> to vector<1280x32xf32>
    %swap3A_195 = arith.constant 0 : index
    %swap3A_196 = arith.constant 0 : index
    %swap3A_197 = vector.load %arg4[%swap3A_195, %swap3A_196] : memref<1280x128xf32, #tpu.memory_space<vmem>>, vector<1280x32xf32>
    tpu.vector_store %arg4[%swap3A_195, %swap3A_196], %slice3A_194 {strides = array<i32>} : memref<1280x128xf32, #tpu.memory_space<vmem>>, vector<1280x32xf32>,
    return
  }
  func.func @transform_0(%arg0: i32) -> (i32, i32, i32) {
    %c0_i32 = arith.constant 0 : i32
    %c0_i32_0 = arith.constant 0 : i32
    %c0_i32_1 = arith.constant 0 : i32
    return %arg0, %c0_i32, %c0_i32_0 : i32, i32, i32
  }
  func.func @transform_1(%arg0: i32) -> (i32, i32) {
    %c0_i32 = arith.constant 0 : i32
    %c0_i32_0 = arith.constant 0 : i32
    %c0_i32_1 = arith.constant 0 : i32
    return %c0_i32, %c0_i32_0 : i32, i32
  }
  func.func @transform_2(%arg0: i32) -> (i32, i32) {
    %c0_i32 = arith.constant 0 : i32
    %c0_i32_0 = arith.constant 0 : i32
    return %arg0, %c0_i32 : i32, i32
  }
  func.func @transform_3(%arg0: i32) -> (i32, i32) {
    %c0_i32 = arith.constant 0 : i32
    %c0_i32_0 = arith.constant 0 : i32
    return %arg0, %c0_i32 : i32, i32
  }
}

module attributes {stable_mosaic.version = 14 : i64} {
  func.func @_xsc_body(%arg0: i32, %arg1: memref<1000x1xi32, #tpu.memory_space<vmem>>, %arg2: memref<96x64xf32, #tpu.memory_space<vmem>>, %arg3: memref<64x128xf32, #tpu.memory_space<vmem>>, %arg4: memref<1x128xf32, #tpu.memory_space<vmem>>, %arg5: memref<1000x128xf32, #tpu.memory_space<vmem>>) attributes {dimension_semantics = [#tpu.dimension_semantics<arbitrary>], iteration_bounds = array<i64: 10>, scalar_prefetch = 0 : i64, scratch_operands = 0 : i64, tpu.core_type = #tpu.core_type<tc>, window_params = [{transform_indices = @transform_0, window_bounds = array<i64: 1000, 1>}, {pipeline_mode = #tpu.pipeline_mode<synchronous>, transform_indices = @transform_1, window_bounds = array<i64: 96, 64>}, {pipeline_mode = #tpu.pipeline_mode<synchronous>, transform_indices = @transform_2, window_bounds = array<i64: 64, 128>}, {pipeline_mode = #tpu.pipeline_mode<synchronous>, transform_indices = @transform_3, window_bounds = array<i64: 1, 128>}, {transform_indices = @transform_4, window_bounds = array<i64: 1000, 128>}]} {
    %get3A = arith.constant 0 : index
    %get3A_0 = arith.constant 0 : index
    %get3A_1 = vector.load %arg1[%get3A, %get3A_0] : memref<1000x1xi32, #tpu.memory_space<vmem>>, vector<1000x1xi32>
    %iota3A = tpu.iota {dimensions = array<i32: 1>} : vector<1000x96xi32>
    %eq3A = vector.broadcast %get3A_1 : vector<1000x1xi32> to vector<1000x96xi32>
    %eq3A_2 = arith.cmpi eq, %iota3A, %eq3A : vector<1000x96xi32>
    %convert_element_type3A = arith.extui %eq3A_2 : vector<1000x96xi1> to vector<1000x96xi32>
    %convert_element_type3A_3 = arith.sitofp %convert_element_type3A : vector<1000x96xi32> to vector<1000x96xf32>
    %get3A_4 = arith.constant 0 : index
    %get3A_5 = arith.constant 0 : index
    %get3A_6 = vector.load %arg2[%get3A_4, %get3A_5] : memref<96x64xf32, #tpu.memory_space<vmem>>, vector<96x64xf32>
    %get3A_7 = arith.constant 0 : index
    %get3A_8 = arith.constant 0 : index
    %get3A_9 = vector.load %arg3[%get3A_7, %get3A_8] : memref<64x128xf32, #tpu.memory_space<vmem>>, vector<64x128xf32>
    %dot_general3A = arith.constant dense<0.000000e+00> : vector<96x128xf32>
    %dot_general3A_10 = tpu.matmul %get3A_6, %get3A_9, %dot_general3A {dimension_numbers = #tpu.dot_dimension_numbers<[1], [0], [0], [1], [0, 0, 1, 1], [], []>, precision = #tpu.contract_precision<fp32>, transpose_lhs_hint = false} : vector<96x64xf32>, vector<64x128xf32>, vector<96x128xf32> -> vector<96x128xf32>
    %dot_general3A_11 = arith.constant dense<0.000000e+00> : vector<1000x128xf32>
    %dot_general3A_12 = tpu.matmul %convert_element_type3A_3, %dot_general3A_10, %dot_general3A_11 {dimension_numbers = #tpu.dot_dimension_numbers<[1], [0], [0], [1], [0, 0, 1, 1], [], []>, precision = #tpu.contract_precision<fp32>, transpose_lhs_hint = false} : vector<1000x96xf32>, vector<96x128xf32>, vector<1000x128xf32> -> vector<1000x128xf32>
    %get3A_13 = arith.constant 0 : index
    %get3A_14 = arith.constant 0 : index
    %get3A_15 = vector.load %arg4[%get3A_13, %get3A_14] : memref<1x128xf32, #tpu.memory_space<vmem>>, vector<1x128xf32>
    %add3A = vector.broadcast %get3A_15 : vector<1x128xf32> to vector<1000x128xf32>
    %add3A_16 = arith.addf %dot_general3A_12, %add3A : vector<1000x128xf32>
    %swap3A = arith.constant 0 : index
    %swap3A_17 = arith.constant 0 : index
    %swap3A_18 = vector.load %arg5[%swap3A, %swap3A_17] : memref<1000x128xf32, #tpu.memory_space<vmem>>, vector<1000x128xf32>
    tpu.vector_store %arg5[%swap3A, %swap3A_17], %add3A_16 {strides = array<i32>} : memref<1000x128xf32, #tpu.memory_space<vmem>>, vector<1000x128xf32>,
    return
  }
  func.func @transform_0(%arg0: i32) -> (i32, i32) {
    %c0_i32 = arith.constant 0 : i32
    %c0_i32_0 = arith.constant 0 : i32
    return %arg0, %c0_i32 : i32, i32
  }
  func.func @transform_1(%arg0: i32) -> (i32, i32) {
    %c0_i32 = arith.constant 0 : i32
    %c0_i32_0 = arith.constant 0 : i32
    %c0_i32_1 = arith.constant 0 : i32
    return %c0_i32, %c0_i32_0 : i32, i32
  }
  func.func @transform_2(%arg0: i32) -> (i32, i32) {
    %c0_i32 = arith.constant 0 : i32
    %c0_i32_0 = arith.constant 0 : i32
    %c0_i32_1 = arith.constant 0 : i32
    return %c0_i32, %c0_i32_0 : i32, i32
  }
  func.func @transform_3(%arg0: i32) -> (i32, i32) {
    %c0_i32 = arith.constant 0 : i32
    %c0_i32_0 = arith.constant 0 : i32
    %c0_i32_1 = arith.constant 0 : i32
    return %c0_i32, %c0_i32_0 : i32, i32
  }
  func.func @transform_4(%arg0: i32) -> (i32, i32) {
    %c0_i32 = arith.constant 0 : i32
    %c0_i32_0 = arith.constant 0 : i32
    return %arg0, %c0_i32 : i32, i32
  }
}

</mosaic_0001>

<sc_bundles>
// kernel: kernel.5.cloned.1.call-start
scs
__scs_entry_jumppad:
0x0: {  	(pc) =	sbr.rel $0x88, $3  }
0x1: {  	(tag) =	ssettag $0x0;
	lr =	simm.s32 $0x1  }
0x2: {  	[smem:$0x3F9A] =	sst lr;
	_ =	strace $0xD0000000  }
0x3: {  	_ = 	snop  }
0x4: {  	_ = 	snop  }
0x5: {  	_ = 	snop  }
0x6: {  	_ = 	snop  }
0x7: {  	_ = 	snop  }
__scs_overlays_trampoline_lowered:
0x8: {  	[smem:$0x3FA9] =	sst s0  }
0x9: {  	[smem:$0x3FAA] =	sst s1  }
0xa: {  	[smem:$0x3FAB] =	sst s2  }
0xb: {  	[smem:$0x3FAC] =	sst s3  }
0xc: {  	[smem:$0x3FAD] =	sst s4  }
0xd: {  	[smem:$0x3FAE] =	sst s5  }
0xe: {  	[smem:$0x3FAF] =	sst s6  }
0xf: {  	[smem:$0x3FB0] =	sst s7  }
0x10: {  	[smem:$0x3FB1] =	sst s8  }
0x11: {  	[smem:$0x3FB2] =	sst s9;
	s0 =	simm.s32 @!p0 $0x0  }
0x12: {  	s1 =	sld [smem:$0x3F98];
	s0 =	simm.s32 @p0 $0x1  }
0x13: {  	[smem:$0x3FB3] =	sst s0;
	s0 =	simm.s32 @!p1 $0x0  }
0x14: {  	s2 =	sld [smem:$0x3F97];
	s0 =	simm.s32 @p1 $0x1  }
0x15: {  	[smem:$0x3FB4] =	sst s0;
	s0 =	simm.s32 @!p2 $0x0  }
0x16: {  	s3 =	sld [smem:$0x3FDB];
	s0 =	simm.s32 @p2 $0x1  }
0x17: {  	s4 =	simm.s32 $0x1BF5;
	[smem:$0x3FB6] =	sst s0  }
0x18: {  	s0 =	sld [smem:$0x3F99];
	_ =	swait.ge [sflag:s4], $0x0  }
0x19: {  	s7 =	sld [smem:$0x3F9A]  }
0x1a: {  	s8 =	sadd.s32 $0xFFFFE003, lr  }
0x1b: {  	s9 =	sadd.s32 $0xFFFFFEF7, lr;
	s5 =	simm.s32 $0xFFFFFFFF;
	p2 =	slt.u32 s8, $0xFFFFF086  }
0x1c: {  	p1 =	slt.u32 s9, $0xF7A;
	s5 =	simm.s32 @!p2 $0x0  }
0x1d: {  	s5 =	simm.s32 @p1 $0x1;
	p0 =	seq.s32 s7, s2  }
0x1e: {  	s7 =	smul.u32 @!p0 $0xF7A, s2;
	p2 =	seq.s32 @!p0 s5, $0x0  }
0x1f: {  	s9 =	smul.u32 $0xF7A, s1;
	s8 =	simm.s32 @!p0 $0x1BF5;
	p2 =	por !p2, p0  }
0x20: {  	[sflag:s8] =	ssyncset.s32 @!p0 $0xFFFFF086;
	s6 =	sadd.s32 @!p0 s3, s7;
	s7 =	simm.s32 @!p0 $0x108  }
0x21: {  	s3 =	sadd.s32 s3, s9;
	s6 =	sadd.s32 @!p0 $0x88, s6;
	s7 =	simm.s32 @p2 $0x1082  }
0x22: {  	[simem:s7], [sflag:s8] =	dma.local @!p0 [hbm:s6], $0xF7A  }
0x23: {  	s9 =	sor.u32 $0xD0000000, s2;
	s6 =	simm.s32 $0x108;
	_ =	swait.ge @!p0 [sflag:s8], $0x0  }
0x24: {  	s3 =	sadd.s32 $0x88, s3;
	s6 =	simm.s32 @!p1 $0x1082;
	[sflag:s4] =	ssyncset.s32 $0xFFFFF086  }
0x25: {  	[simem:s6], [sflag:s4] =	dma.local [hbm:s3], $0xF7A  }
0x26: {  	[smem:$0x3F9A] =	sst s1;
	(tag) =	ssettag s2;
	_ =	strace s9  }
0x27: {  	s1 =	sld [smem:$0x3FAA]  }
0x28: {  	s2 =	sld [smem:$0x3FAB]  }
0x29: {  	s4 =	sld [smem:$0x3FAD]  }
0x2a: {  	p0 =	seq.s32 s5, $0x0;
	s5 =	sld [smem:$0x3FAE]  }
0x2b: {  	s6 =	sld [smem:$0x3FAF]  }
0x2c: {  	s7 =	sld [smem:$0x3FB0]  }
0x2d: {  	s3 =	simm.s32 $0x108;
	s8 =	sld [smem:$0x3FB1]  }
0x2e: {  	s3 =	simm.s32 @!p0 $0x1082;
	s9 =	sld [smem:$0x3FB2]  }
0x2f: {  	lr =	sadd.s32 s0, s3;
	s0 =	sld [smem:$0x3FA9]  }
0x30: {  	s3 =	sld [smem:$0x3FAC]  }
0x31: {  	[smem:$0x3FB5] =	sst s10  }
0x32: {  	s10 =	sld [smem:$0x3FB3];
	_ =	sdelay $0x3  }
0x33: {  	p0 =	seq.s32 s10, $0x1;
	s10 =	sld [smem:$0x3FB5];
	_ =	sdelay $0x3  }
0x34: {  	[smem:$0x3FB5] =	sst s10  }
0x35: {  	s10 =	sld [smem:$0x3FB4];
	_ =	sdelay $0x3  }
0x36: {  	p1 =	seq.s32 s10, $0x1;
	s10 =	sld [smem:$0x3FB5];
	_ =	sdelay $0x3  }
0x37: {  	[smem:$0x3FB5] =	sst s10  }
0x38: {  	s10 =	sld [smem:$0x3FB6]  }
0x39: {  	_ = 	snop;
	(pc) =	sbr.ind lr, $3  }
0x3a: {  	_ = 	snop  }
0x3b: {  	_ = 	snop  }
0x3c: {  	p2 =	seq.s32 s10, $0x1;
	s10 =	sld [smem:$0x3FB5]  }
0x3d: {  	_ =	shalt  }
0x3e: {  	_ =	shalt  }
0x3f: {  	_ =	shalt  }
0x40: {  	_ =	shalt  }
0x41: {  	_ =	shalt  }
0x42: {  	_ =	shalt  }
0x43: {  	_ =	shalt  }
0x44: {  	_ =	shalt  }
0x45: {  	_ =	shalt  }
0x46: {  	_ =	shalt  }
0x47: {  	_ =	shalt  }
0x48: {  	_ =	shalt  }
0x49: {  	_ =	shalt  }
0x4a: {  	_ =	shalt  }
0x4b: {  	_ =	shalt  }
0x4c: {  	_ =	shalt  }
0x4d: {  	_ =	shalt  }
0x4e: {  	_ =	shalt  }
0x4f: {  	_ =	shalt  }
0x50: {  	_ =	shalt  }
0x51: {  	_ =	shalt  }
0x52: {  	_ =	shalt  }
0x53: {  	_ =	shalt  }
0x54: {  	_ =	shalt  }
0x55: {  	_ =	shalt  }
0x56: {  	_ =	shalt  }
0x57: {  	_ =	shalt  }
0x58: {  	_ =	shalt  }
0x59: {  	_ =	shalt  }
0x5a: {  	_ =	shalt  }
0x5b: {  	_ =	shalt  }
0x5c: {  	_ =	shalt  }
0x5d: {  	_ =	shalt  }
0x5e: {  	_ =	shalt  }
0x5f: {  	_ =	shalt  }
0x60: {  	_ =	shalt  }
0x61: {  	_ =	shalt  }
0x62: {  	_ =	shalt  }
0x63: {  	_ =	shalt  }
0x64: {  	_ =	shalt  }
0x65: {  	_ =	shalt  }
0x66: {  	_ =	shalt  }
0x67: {  	_ =	shalt  }
0x68: {  	_ =	shalt  }
0x69: {  	_ =	shalt  }
0x6a: {  	_ =	shalt  }
0x6b: {  	_ =	shalt  }
0x6c: {  	_ =	shalt  }
0x6d: {  	_ =	shalt  }
0x6e: {  	_ =	shalt  }
0x6f: {  	_ =	shalt  }
0x70: {  	_ =	shalt  }
0x71: {  	_ =	shalt  }
0x72: {  	_ =	shalt  }
0x73: {  	_ =	shalt  }
0x74: {  	_ =	shalt  }
0x75: {  	_ =	shalt  }
0x76: {  	_ =	shalt  }
0x77: {  	_ =	shalt  }
0x78: {  	_ =	shalt  }
0x79: {  	_ =	shalt  }
0x7a: {  	_ =	shalt  }
0x7b: {  	_ =	shalt  }
0x7c: {  	_ =	shalt  }
0x7d: {  	_ =	shalt  }
0x7e: {  	_ =	shalt  }
0x7f: {  	_ =	shalt  }
0x80: {  	_ =	shalt  }
0x81: {  	_ =	shalt  }
0x82: {  	_ =	shalt  }
0x83: {  	_ =	shalt  }
0x84: {  	_ =	shalt  }
0x85: {  	_ =	shalt  }
0x86: {  	_ =	shalt  }
0x87: {  	_ =	shalt  }
.Lfunc_end0:
.L_simem_size_0:
called_computation.1_lowered:
.L_overlay_start_0:
0x88: {  	s2 =	sld [smem:$0x3FD9]  }
0x89: {  	s3 =	sld [smem:$0x3FFE];
	_ =	sdelay $0x1  }
0x8a: {  	s1 =	srdreg.scid  }
0x8b: {  	s0 =	sand.u32 $0x1, s1  }
0x8c: {  	s14 =	sshll.u32 s0, $0xA;
	s2 =	sadd.s32 s3, s2  }
0x8d: {  	s2 =	sadd.s32 s2, s14  }
0x8e: {  	[smem:$0x3FC1] =	sst s2  }
0x8f: {  	_ = 	snop  }
0x90: {  	s2 =	sld [smem:$0x3FD0];
	_ =	sdelay $0x2  }
0x91: {  	s15 =	simm.s32 $0xA;
	s4 =	simm.s32 $0x10  }
0x92: {  	[smem:s4], [sflag:s15] =	dma.local [hbm:s2], $0x1  }
0x93: {  	_ =	swait.eq [sflag:s15], $0x1  }
0x94: {  	s16 =	sld [smem:$0x10]  }
0x95: {  	s17 =	sld [smem:$0x11];
	[sflag:s15] =	ssyncset.done $0x0  }
0x96: {  	s5 =	sld [smem:$0x12];
	[sflag:s15] =	ssyncadd.s32 $0xFFFFFFFF  }
0x97: {  	s18 =	sld [smem:$0x13];
	(tm) =	ssettm $0x1  }
0x98: {  	s6 =	sld [smem:$0x3FFB];
	_ =	sdelay $0x3  }
0x99: {  	_ =	strace s6  }
0x9a: {  	s6 =	sld [smem:$0x3FFC];
	_ =	sdelay $0x3  }
0x9b: {  	_ =	strace s6  }
0x9c: {  	s6 =	sld [smem:$0x3FFD];
	_ =	sdelay $0x3  }
0x9d: {  	_ =	strace s6  }
0x9e: {  	_ =	strace $0x8FFFFFFF  }
0x9f: {  	s19 =	sld [smem:$0x3FDB];
	_ =	sdelay $0x1  }
0xa0: {  	s7 =	simm.s32 $_scs_section_size  }
0xa1: {  	s8 =	simm.s32 $_size__tile_overlayer_lowered;
	s9 =	simm.s32 $_tile_overlayer_lowered  }
0xa2: {  	s22 =	simm.s32 $0x1BFF;
	s21 =	sshll.u32 s9, $0x1;
	s6 =	sadd.s32 s7, s19  }
0xa3: {  	s10 =	simm.s32 $0x0;
	s20 =	sshll.u32 s8, $0x1;
	s8 =	sadd.s32 s21, s6  }
0xa4: {  	[timem:s10], [sflag:s22] =	dma.local [hbm:s8], s20  }
0xa5: {  	_ =	swait.ge [sflag:s22], s20  }
0xa6: {  	s7 =	ssub.s32 $0x0, s20;
	[sflag:s22] =	ssyncset.done $0x0  }
0xa7: {  	[sflag:s22] =	ssyncadd.s32 s7;
	_ =	sdelay $0x1  }
0xa8: {  	s23 =	simm.s32 $0x1B8B  }
0xa9: {  	_ =	swait.ge [sflag:s23], $0x1  }
0xaa: {  	[sflag:s23] =	ssyncset.done $0x0  }
0xab: {  	s25 =	simm.s32 $0x1B8E;
	s24 =	sld [smem:$0x3FFE];
	[sflag:s23] =	ssyncadd.s32 $0xFFFFFFFF  }
0xac: {  	s26 =	simm.s32 $execute0_lowered;
	[smem:$0x3FD2] =	sst s25  }
0xad: {  	s8 =	sshll.u32 s26, $0x1;
	_ =	strace $0x80000046;
	[dreg:$0x1] =	wrdreg $0xFFFFFFFF  }
0xae: {  	s28 =	simm.s32 $_size_execute0_lowered;
	s6 =	sadd.s32 s6, s8;
	[dreg:$0x0] =	wrdreg $0x0  }
0xaf: {  	s8 =	sshll.u32 s28, $0x1;
	[dreg:$0x2] =	wrdreg s6  }
0xb0: {  	[dreg:$0x3] =	wrdreg s8  }
0xb1: {  	[dreg:$0x4] =	wrdreg $0xC0  }
0xb2: {  	_ =	task [dreg:s10], $0x5FFFF  }
0xb3: {  	[dreg:$0x1] =	wrdreg $0xFFFFFFFF  }
0xb4: {  	[dreg:$0x0] =	wrdreg $0x60  }
0xb5: {  	[dreg:$0x2] =	wrdreg s24  }
0xb6: {  	[dreg:$0x3] =	wrdreg s5  }
0xb7: {  	[dreg:$0x4] =	wrdreg s16  }
0xb8: {  	[dreg:$0x5] =	wrdreg s18  }
0xb9: {  	[dreg:$0x6] =	wrdreg s17  }
0xba: {  	[dreg:$0x7] =	wrdreg $0x9  }
0xbb: {  	_ =	task.clear_ibuf [dreg:s10], $0x8FFFF;
	_ =	strace $0x90000046  }
0xbc: {  	s29 =	simm.s32 $0x9;
	_ =	strace $0x80000048  }
0xbd: {  	_ =	swait.ge [sflag:s29], $0x1  }
0xbe: {  	[sflag:s29] =	ssyncadd.s32 $0xFFFFFFFF  }
0xbf: {  	_ =	strace $0x90000048  }
0xc0: {  	_ =	sfence  }
0xc1: {  	s30 =	sld [smem:$0x0];
	_ =	sdelay $0x2  }
0xc2: {  	s31 =	sshll.u32 s1, $0xD;
	s1 =	sshrl.u32 s1, $0x2  }
0xc3: {  	s3 =	sand.u32 $0x4000, s31;
	s1 =	sadd.s32 s1, s30  }
0xc4: {  	s0 =	sor.u32 s3, s0;
	s1 =	sshll.u32 s1, $0x11  }
0xc5: {  	s0 =	sor.u32 s1, s0  }
0xc6: {  	s0 =	sadd.s32 $0x8F2B, s0  }
0xc7: {  	[sflag:s0] =	ssyncadd.remote.s32 $0x1  }
0xc8: {  	_ =	sfence.sel $0xFFFF  }
0xc9: {  	[dreg:$0x0] =	wrdreg $0xFFFFFFFF;
	(pc) =	sbr.abs _section_cstart, $3  }
0xca: {  	[dreg:$0x1] =	wrdreg $0xFFFFFFFF  }
0xcb: {  	_ =	task.clear_ibuf [dreg:s10], $0x2FFFF;
	_ =	strace $0x9FFFFFFF  }
0xcc: {  	(tm) =	ssettm $0x7FFFFFFF  }
0xcd: {  	_ =	shalt  }
tec
execute0_lowered:
.L_overlay_start_1:
0x0: {  	(tag) =	ssettag $0x1  }
0x1: {  	s0 =	rddreg [dreg:$0x0]  }
0x2: {  	s1 =	rddreg [dreg:$0x2]  }
0x3: {  	s2 =	rddreg [dreg:$0x3]  }
0x4: {  	s10 =	rddreg [dreg:$0x4]  }
0x5: {  	s4 =	srdreg.scid;
	s5 =	stileid.u32  }
0x6: {  	s3 =	simm.s32 $0x0;
	s24 =	simm.s32 $0x1;
	s25 =	simm.s32 $0x2780  }
0x7: {  	s26 =	simm.s32 $0x4F00;
	s4 =	sand.u32 $0x1, s4;
	s5 =	sshll.u32 s5, $0x1  }
0x8: {  	s30 =	simm.s32 $0x0;
	[smem:$0x7FF] =	sst s3;
	s5 =	sor.u32 s4, s5  }
0x9: {  	_ =	strace $0x80000047;
	s6 =	ssub.s32 $0x2, s4;
	s7 =	smul.u32 $0x280, s5  }
0xa: {  	s4 =	sadd.s32 $0xFA00, s0;
	s8 =	sshrl.u32 s6, $0x1;
	s9 =	smul.u32 $0xA000, s5  }
0xb: {  	s5 =	sadd.s32 $0xF400, s0;
	s23 =	ssub.s32 s6, s8;
	s0 =	sadd.s32 s7, s0  }
0xc: {  	s6 =	sadd.s32 s1, s7;
	s7 =	sadd.s32 s2, s7;
	s31 =	sshrl.u32 s9, $0x3  }
0xd: {  	s23 =	smax.u32 s23, $0x1;
	s2 =	simm.s32 $0x80;
	s1 =	simm.s32 $0x400  }
0xe: {  	s8 =	sadd.s32 $0xA400, s0;
	s9 =	sadd.s32 $0x5400, s0;
	s10 =	sadd.s32 s10, s31  }
0xf: {  	s11 =	sadd.s32 $0x400, s0;
	s12 =	sadd.s32 $0x10, s10;
	s13 =	sadd.s32 $0x20, s10  }
0x10: {  	s14 =	sadd.s32 $0x500, s10;
	s15 =	sadd.s32 $0x510, s10;
	s16 =	sadd.s32 $0x520, s10  }
0x11: {  	s17 =	sadd.s32 $0xA00, s10;
	s18 =	sadd.s32 $0xA10, s10;
	s19 =	sadd.s32 $0xA20, s10  }
0x12: {  	s20 =	sadd.s32 $0xF00, s10;
	s21 =	sadd.s32 $0xF10, s10;
	s22 =	sadd.s32 $0xF20, s10  }
.LBB2_1:
0x13: {  	[tilespmem:s3], [sflag:$0x1] =	stream.linear.gather [hbm4b:s4+s3], $0x2780, $0x38;
	[tilespmem:$0x11680] =	vst v63  }
0x14: {  	_ =	swait.ge [sflag:s24], $0x2780  }
0x15: {  	[sflag:s24] =	ssyncset.done $0x0  }
0x16: {  	[sflag:s24] =	ssyncadd.s32 $0xFFFFD880  }
0x17: {  	[tilespmem:s25], [sflag:$0x1] =	stream.linear.gather [hbm4b:s5+s3], $0x2780, $0x38;
	[tilespmem:$0x11680] =	vst v63  }
0x18: {  	_ =	swait.ge [sflag:s24], $0x2780  }
0x19: {  	[sflag:s24] =	ssyncset.done $0x0  }
0x1a: {  	[sflag:s24] =	ssyncadd.s32 $0xFFFFD880  }
0x1b: {  	s0 =	rddreg [dreg:$0x1]  }
0x1c: {  	[tilespmem:s26], [sflag:$0x1] =	stream.linear.gather [hbm4b:s0+s3], $0x2780, $0x38;
	[tilespmem:$0x11680] =	vst v63  }
0x1d: {  	_ =	swait.ge [sflag:s24], $0x2780  }
0x1e: {  	[sflag:s24] =	ssyncset.done $0x0  }
0x1f: {  	s29 =	simm.s32 $0x7680;
	[sflag:s24] =	ssyncadd.s32 $0xFFFFD880  }
0x20: {  	[tilespmem:s29], [sflag:$0x1] =	stream.linear.gather [hbm4b:s6+s3], $0x1400, $0x38;
	[tilespmem:$0x11680] =	vst v63  }
0x21: {  	_ =	swait.ge [sflag:s24], $0x1400  }
0x22: {  	[sflag:s24] =	ssyncset.done $0x0  }
0x23: {  	s29 =	simm.s32 $0x8A80;
	[sflag:s24] =	ssyncadd.s32 $0xFFFFEC00  }
0x24: {  	[tilespmem:s29], [sflag:$0x1] =	stream.linear.gather [hbm4b:s7+s3], $0x1400, $0x38;
	[tilespmem:$0x11680] =	vst v63  }
0x25: {  	_ =	swait.ge [sflag:s24], $0x1400  }
0x26: {  	[sflag:s24] =	ssyncset.done $0x0  }
0x27: {  	s29 =	simm.s32 $0x9E80;
	[sflag:s24] =	ssyncadd.s32 $0xFFFFEC00  }
0x28: {  	[tilespmem:s29], [sflag:$0x1] =	stream.linear.gather [hbm4b:s8+s3], $0x1400, $0x38;
	[tilespmem:$0x11680] =	vst v63  }
0x29: {  	_ =	swait.ge [sflag:s24], $0x1400  }
0x2a: {  	[sflag:s24] =	ssyncset.done $0x0  }
0x2b: {  	s29 =	simm.s32 $0xB280;
	[sflag:s24] =	ssyncadd.s32 $0xFFFFEC00  }
0x2c: {  	[tilespmem:s29], [sflag:$0x1] =	stream.linear.gather [hbm4b:s9+s3], $0x1400, $0x38;
	[tilespmem:$0x11680] =	vst v63  }
0x2d: {  	_ =	swait.ge [sflag:s24], $0x1400  }
0x2e: {  	[sflag:s24] =	ssyncset.done $0x0  }
0x2f: {  	s29 =	simm.s32 $0xC680;
	[sflag:s24] =	ssyncadd.s32 $0xFFFFEC00  }
0x30: {  	[tilespmem:s29], [sflag:$0x1] =	stream.linear.gather [hbm4b:s11+s3], $0x1400, $0x38;
	[tilespmem:$0x11680] =	vst v63  }
0x31: {  	_ =	swait.ge [sflag:s24], $0x1400  }
0x32: {  	[sflag:s24] =	ssyncset.done $0x0  }
0x33: {  	s31 =	simm.s32 $0x0;
	[sflag:s24] =	ssyncadd.s32 $0xFFFFEC00  }
0x34: {  	v0 =	vld [tilespmem:s31+$0x7680]  }
0x35: {  	v1 =	vld [tilespmem:s31+$0x8A80];
	_ =	sdelay $0x6  }
0x36: {  	v2 =	vld.idx.msk [tilespmem:v0+s3+$0x0], $0xffff  }
0x37: {  	v3 =	vld.idx.msk [tilespmem:v1+s3+$0x0], $0xffff;
	_ =	sdelay $0x1  }
0x38: {  	v4 =	vld [tilespmem:s31+$0x9E80];
	_ =	sdelay $0x2  }
0x39: {  	v2 =	vsub.f32 v2, v3;
	_ =	sdelay $0x1  }
0x3a: {  	v2 =	vsub.f32 v2, v4;
	_ =	sdelay $0x1  }
0x3b: {  	[tilespmem:s31+$0xDA80] =	vst v2  }
0x3c: {  	v2 =	vld.idx.msk [tilespmem:v0+s25+$0x0], $0xffff  }
0x3d: {  	v3 =	vld.idx.msk [tilespmem:v1+s25+$0x0], $0xffff;
	_ =	sdelay $0x1  }
0x3e: {  	v4 =	vld [tilespmem:s31+$0xB280];
	_ =	sdelay $0x2  }
0x3f: {  	v2 =	vsub.f32 v2, v3;
	_ =	sdelay $0x1  }
0x40: {  	v2 =	vsub.f32 v2, v4;
	_ =	sdelay $0x1  }
0x41: {  	[tilespmem:s31+$0xEE80] =	vst v2  }
0x42: {  	v3 =	vld.idx.msk [tilespmem:v0+s26+$0x0], $0xffff  }
0x43: {  	v4 =	vld.idx.msk [tilespmem:v1+s26+$0x0], $0xffff  }
0x44: {  	s28 =	simm.s32 $0x10;
	v2 =	vld [tilespmem:s31+$0xC680]  }
0x45: {  	v0 =	vld [tilespmem:s28+$0x7680]  }
0x46: {  	v1 =	vld [tilespmem:s28+$0x8A80];
	_ =	sdelay $0x1  }
0x47: {  	s0 =	simm.s32 $0x80;
	v3 =	vsub.f32 v3, v4  }
.LBB2_2:
0x48: {  	p0 =	sne.s32 s0, $0x4FC0;
	s29 =	smov.u32 s0;
	s0 =	sadd.s32 $0x40, s0  }
0x49: {  	v2 =	vsub.f32 v3, v2;
	_ =	sdelay $0x1  }
0x4a: {  	[tilespmem:s31+$0x10280] =	vst v2;
	s31 =	smov.u32 s28  }
0x4b: {  	v2 =	vld.idx.msk [tilespmem:v0+s3+$0x0], $0xffff  }
0x4c: {  	v3 =	vld.idx.msk [tilespmem:v1+s3+$0x0], $0xffff;
	_ =	sdelay $0x1  }
0x4d: {  	v4 =	vld [tilespmem:s31+$0x9E80];
	_ =	sdelay $0x3  }
0x4e: {  	v2 =	vsub.f32 v2, v3;
	_ =	sdelay $0x1  }
0x4f: {  	v2 =	vsub.f32 v2, v4;
	_ =	sdelay $0x1  }
0x50: {  	[tilespmem:s31+$0xDA80] =	vst v2  }
0x51: {  	v2 =	vld.idx.msk [tilespmem:v0+s25+$0x0], $0xffff  }
0x52: {  	v3 =	vld.idx.msk [tilespmem:v1+s25+$0x0], $0xffff  }
0x53: {  	v4 =	vld [tilespmem:s31+$0xB280];
	_ =	sdelay $0x4  }
0x54: {  	v2 =	vsub.f32 v2, v3;
	_ =	sdelay $0x1  }
0x55: {  	v2 =	vsub.f32 v2, v4;
	_ =	sdelay $0x1  }
0x56: {  	[tilespmem:s31+$0xEE80] =	vst v2;
	v2 =	vld [tilespmem:s31+$0xC680]  }
0x57: {  	v3 =	vld.idx.msk [tilespmem:v0+s26+$0x0], $0xffff  }
0x58: {  	v4 =	vld.idx.msk [tilespmem:v1+s26+$0x0], $0xffff;
	_ =	sdelay $0x1  }
.Ltmp0:
0x59: {  	s28 =	sshra.s32 s29, $0x2;
	(pc) =	sbr.rel @p0 .LBB2_2-.Ltmp0, $3  }
0x5a: {  	v0 =	vld [tilespmem:s28+$0x7680]  }
0x5b: {  	v1 =	vld [tilespmem:s28+$0x8A80];
	_ =	sdelay $0x1  }
0x5c: {  	v3 =	vsub.f32 v3, v4  }
0x5d: {  	_ =	sdelay $0x1  }
0x5e: {  	v2 =	vsub.f32 v3, v2;
	_ =	sdelay $0x1  }
0x5f: {  	[tilespmem:s31+$0x10280] =	vst v2  }
0x60: {  	v2 =	vld.idx.msk [tilespmem:v0+s3+$0x0], $0xffff  }
0x61: {  	v58 =	vld.idx.msk [tilespmem:v1+s3+$0x0], $0xffff;
	_ =	sdelay $0x1  }
0x62: {  	v4 =	vld [tilespmem:s28+$0x9E80];
	_ =	sdelay $0x2  }
0x63: {  	v2 =	vsub.f32 v2, v58;
	_ =	sdelay $0x1  }
0x64: {  	v2 =	vsub.f32 v2, v4;
	_ =	sdelay $0x1  }
0x65: {  	[tilespmem:s28+$0xDA80] =	vst v2  }
0x66: {  	v2 =	vld.idx.msk [tilespmem:v0+s25+$0x0], $0xffff  }
0x67: {  	v59 =	vld.idx.msk [tilespmem:v1+s25+$0x0], $0xffff;
	_ =	sdelay $0x1  }
0x68: {  	v60 =	vld [tilespmem:s28+$0xB280];
	_ =	sdelay $0x2  }
0x69: {  	v2 =	vsub.f32 v2, v59;
	_ =	sdelay $0x1  }
0x6a: {  	v2 =	vsub.f32 v2, v60;
	_ =	sdelay $0x1  }
0x6b: {  	[tilespmem:s28+$0xEE80] =	vst v2  }
0x6c: {  	v61 =	vld.idx.msk [tilespmem:v0+s26+$0x0], $0xffff  }
0x6d: {  	v62 =	vld.idx.msk [tilespmem:v1+s26+$0x0], $0xffff;
	_ =	sdelay $0x1  }
0x6e: {  	v63 =	vld [tilespmem:s28+$0xC680];
	_ =	sdelay $0x2  }
0x6f: {  	v0 =	vsub.f32 v61, v62;
	_ =	sdelay $0x1  }
0x70: {  	v0 =	vsub.f32 v0, v63;
	_ =	sdelay $0x1  }
0x71: {  	s0 =	simm.s32 $0xDA80;
	[tilespmem:s28+$0x10280] =	vst v0  }
0x72: {  	[hbm4b:s10+s2] =	stream.strided.scatter [tilespmem:s0], [sflag:$0x1], $0x500, s1, s2, $0x38;
	[tilespmem:$0x11680] =	vst v63  }
0x73: {  	_ =	swait.ge [sflag:s24], $0x500  }
0x74: {  	[sflag:s24] =	ssyncset.done $0x0  }
0x75: {  	s29 =	simm.s32 $0xEE80;
	[sflag:s24] =	ssyncadd.s32 $0xFFFFFB00  }
0x76: {  	[hbm4b:s12+s2] =	stream.strided.scatter [tilespmem:s29], [sflag:$0x1], $0x500, s1, s2, $0x38;
	[tilespmem:$0x11680] =	vst v63  }
0x77: {  	_ =	swait.ge [sflag:s24], $0x500  }
0x78: {  	[sflag:s24] =	ssyncset.done $0x0  }
0x79: {  	s31 =	simm.s32 $0x10280;
	[sflag:s24] =	ssyncadd.s32 $0xFFFFFB00  }
0x7a: {  	[hbm4b:s13+s2] =	stream.strided.scatter [tilespmem:s31], [sflag:$0x1], $0x500, s1, s2, $0x38;
	[tilespmem:$0x11680] =	vst v63  }
0x7b: {  	_ =	swait.ge [sflag:s24], $0x500  }
0x7c: {  	[sflag:s24] =	ssyncset.done $0x0  }
0x7d: {  	s28 =	simm.s32 $0xDF80;
	[sflag:s24] =	ssyncadd.s32 $0xFFFFFB00  }
0x7e: {  	[hbm4b:s14+s2] =	stream.strided.scatter [tilespmem:s28], [sflag:$0x1], $0x500, s1, s2, $0x38;
	[tilespmem:$0x11680] =	vst v63  }
0x7f: {  	_ =	swait.ge [sflag:s24], $0x500  }
0x80: {  	[sflag:s24] =	ssyncset.done $0x0  }
0x81: {  	s29 =	simm.s32 $0xF380;
	[sflag:s24] =	ssyncadd.s32 $0xFFFFFB00  }
0x82: {  	[hbm4b:s15+s2] =	stream.strided.scatter [tilespmem:s29], [sflag:$0x1], $0x500, s1, s2, $0x38;
	[tilespmem:$0x11680] =	vst v63  }
0x83: {  	_ =	swait.ge [sflag:s24], $0x500  }
0x84: {  	[sflag:s24] =	ssyncset.done $0x0  }
0x85: {  	s31 =	simm.s32 $0x10780;
	[sflag:s24] =	ssyncadd.s32 $0xFFFFFB00  }
0x86: {  	[hbm4b:s16+s2] =	stream.strided.scatter [tilespmem:s31], [sflag:$0x1], $0x500, s1, s2, $0x38;
	[tilespmem:$0x11680] =	vst v63  }
0x87: {  	_ =	swait.ge [sflag:s24], $0x500  }
0x88: {  	[sflag:s24] =	ssyncset.done $0x0  }
0x89: {  	s28 =	simm.s32 $0xE480;
	[sflag:s24] =	ssyncadd.s32 $0xFFFFFB00  }
0x8a: {  	[hbm4b:s17+s2] =	stream.strided.scatter [tilespmem:s28], [sflag:$0x1], $0x500, s1, s2, $0x38;
	[tilespmem:$0x11680] =	vst v63  }
0x8b: {  	_ =	swait.ge [sflag:s24], $0x500  }
0x8c: {  	[sflag:s24] =	ssyncset.done $0x0  }
0x8d: {  	s29 =	simm.s32 $0xF880;
	[sflag:s24] =	ssyncadd.s32 $0xFFFFFB00  }
0x8e: {  	[hbm4b:s18+s2] =	stream.strided.scatter [tilespmem:s29], [sflag:$0x1], $0x500, s1, s2, $0x38;
	[tilespmem:$0x11680] =	vst v63  }
0x8f: {  	_ =	swait.ge [sflag:s24], $0x500  }
0x90: {  	[sflag:s24] =	ssyncset.done $0x0  }
0x91: {  	s31 =	simm.s32 $0x10C80;
	[sflag:s24] =	ssyncadd.s32 $0xFFFFFB00  }
0x92: {  	[hbm4b:s19+s2] =	stream.strided.scatter [tilespmem:s31], [sflag:$0x1], $0x500, s1, s2, $0x38;
	[tilespmem:$0x11680] =	vst v63  }
0x93: {  	_ =	swait.ge [sflag:s24], $0x500  }
0x94: {  	[sflag:s24] =	ssyncset.done $0x0  }
0x95: {  	s28 =	simm.s32 $0xE980;
	[sflag:s24] =	ssyncadd.s32 $0xFFFFFB00  }
0x96: {  	[hbm4b:s20+s2] =	stream.strided.scatter [tilespmem:s28], [sflag:$0x1], $0x500, s1, s2, $0x38;
	[tilespmem:$0x11680] =	vst v63  }
0x97: {  	_ =	swait.ge [sflag:s24], $0x500  }
0x98: {  	[sflag:s24] =	ssyncset.done $0x0  }
0x99: {  	s29 =	simm.s32 $0xFD80;
	[sflag:s24] =	ssyncadd.s32 $0xFFFFFB00  }
0x9a: {  	[hbm4b:s21+s2] =	stream.strided.scatter [tilespmem:s29], [sflag:$0x1], $0x500, s1, s2, $0x38;
	[tilespmem:$0x11680] =	vst v63  }
0x9b: {  	s30 =	sadd.s32 $0x1, s30;
	_ =	swait.ge [sflag:s24], $0x500  }
0x9c: {  	p0 =	sne.s32 s30, s23;
	[sflag:s24] =	ssyncset.done $0x0  }
.Ltmp1:
0x9d: {  	s31 =	simm.s32 $0x11180;
	[sflag:s24] =	ssyncadd.s32 $0xFFFFFB00;
	(pc) =	sbr.rel @p0 .LBB2_1-.Ltmp1, $4  }
0x9e: {  	[hbm4b:s22+s2] =	stream.strided.scatter [tilespmem:s31], [sflag:$0x1], $0x500, s1, s2, $0x38;
	[tilespmem:$0x11680] =	vst v63  }
0x9f: {  	_ =	swait.ge [sflag:s24], $0x500  }
0xa0: {  	[sflag:s24] =	ssyncset.done $0x0  }
0xa1: {  	[sflag:s24] =	ssyncadd.s32 $0xFFFFFB00  }
0xa2: {  	_ =	sfence.sel $0x180000  }
0xa3: {  	[bflag:$0x0] =	sbarrier.arrive $0xFFFF  }
0xa4: {  	_ =	strace $0x90000047  }
0xa5: {  	s0 =	stileid.u32;
	[bflag:$0x2] =	sbarrier.arrive $0xFFFF  }
0xa6: {  	p0 =	sne.s32 s0, $0x0;
	s0 =	rddreg [dreg:$0x5]  }
0xa7: {  	s0 =	sadd.s32 @!p0 $0x100000, s0  }
0xa8: {  	[sflag:s0] =	ssyncadd.tile.s32 @!p0 $0x1;
	_ =	shalt  }
.Lfunc_end2:
_tile_overlayer_lowered:
.L_overlay_start_2:
0xa9: {  	(tag) =	ssettag $0x2  }
0xaa: {  	s0 =	rddreg [dreg:$0x0];
	s2 =	stileid.u32  }
0xab: {  	s1 =	rddreg [dreg:$0x1];
	p0 =	sne.s32 s2, $0x0  }
0xac: {  	s3 =	rddreg [dreg:$0x2];
	[bflag:$0x3] =	sbarrier.arrive $0xFFFF;
	s2 =	simm.s32 @!p0 $0x1C01  }
0xad: {  	[timem:s3], [sflag:s2] =	dma.local @!p0 [hbm:s0], s1  }
0xae: {  	s0 =	simm.s32 @!p0 $0x1  }
0xaf: {  	_ =	swait.ge @!p0 [sflag:s0], s1  }
0xb0: {  	s1 =	ssub.s32 @!p0 $0x0, s1;
	[sflag:s0] =	ssyncset.done @!p0 $0x0  }
0xb1: {  	[sflag:s0] =	ssyncadd.s32 @!p0 s1  }
0xb2: {  	[bflag:$0x3] =	sbarrier.arrive $0xFFFF  }
0xb3: {  	_ =	shalt  }

// kernel: sparse-core-data-format-call.cloned.1.call-start
scs
called_computation_lowered:
.L_overlay_start_0:
0x0: {  	s2 =	sld [smem:$0x3FD9]  }
0x1: {  	s3 =	sld [smem:$0x3FFE];
	_ =	sdelay $0x1  }
0x2: {  	s1 =	srdreg.scid  }
0x3: {  	s0 =	sand.u32 $0x1, s1  }
0x4: {  	s15 =	sshll.u32 s0, $0xA;
	s2 =	sadd.s32 s3, s2  }
0x5: {  	s2 =	sadd.s32 s2, s15  }
0x6: {  	[smem:$0x3FC1] =	sst s2  }
0x7: {  	_ = 	snop  }
0x8: {  	s2 =	sld [smem:$0x3FD0];
	_ =	sdelay $0x2  }
0x9: {  	s16 =	simm.s32 $0xA;
	s4 =	simm.s32 $0x10  }
0xa: {  	[smem:s4], [sflag:s16] =	dma.local [hbm:s2], $0x1  }
0xb: {  	_ =	swait.eq [sflag:s16], $0x1  }
0xc: {  	[sflag:s16] =	ssyncset.done $0x0  }
0xd: {  	[sflag:s16] =	ssyncadd.s32 $0xFFFFFFFF  }
0xe: {  	s17 =	sld [smem:$0x13];
	(tm) =	ssettm $0x1  }
0xf: {  	s18 =	sld [smem:$0x3FFB];
	_ =	sdelay $0x3  }
0x10: {  	_ =	strace s18  }
0x11: {  	s3 =	sld [smem:$0x3FFC];
	_ =	sdelay $0x3  }
0x12: {  	_ =	strace s3  }
0x13: {  	s3 =	sld [smem:$0x3FFD];
	_ =	sdelay $0x3  }
0x14: {  	_ =	strace s3  }
0x15: {  	_ =	strace $0x8FFFFFFF  }
0x16: {  	s19 =	sld [smem:$0x3FDB];
	_ =	sdelay $0x1  }
0x17: {  	s20 =	simm.s32 $_scs_section_size  }
0x18: {  	s5 =	simm.s32 $_size__tile_overlayer_lowered;
	s6 =	simm.s32 $_tile_overlayer_lowered  }
0x19: {  	s23 =	simm.s32 $0x1BFF;
	s22 =	sshll.u32 s6, $0x1;
	s3 =	sadd.s32 s20, s19  }
0x1a: {  	s7 =	simm.s32 $0x0;
	s21 =	sshll.u32 s5, $0x1;
	s5 =	sadd.s32 s22, s3  }
0x1b: {  	[timem:s7], [sflag:s23] =	dma.local [hbm:s5], s21  }
0x1c: {  	_ =	swait.ge [sflag:s23], s21  }
0x1d: {  	s4 =	ssub.s32 $0x0, s21;
	[sflag:s23] =	ssyncset.done $0x0  }
0x1e: {  	[sflag:s23] =	ssyncadd.s32 s4;
	_ =	sdelay $0x1  }
0x1f: {  	s24 =	simm.s32 $0x1B8B  }
0x20: {  	_ =	swait.ge [sflag:s24], $0x1  }
0x21: {  	[sflag:s24] =	ssyncset.done $0x0  }
0x22: {  	s26 =	simm.s32 $0x1B8E;
	s25 =	sld [smem:$0x3FFE];
	[sflag:s24] =	ssyncadd.s32 $0xFFFFFFFF  }
0x23: {  	s27 =	simm.s32 $execute0_lowered;
	[smem:$0x3FD2] =	sst s26  }
0x24: {  	s5 =	sshll.u32 s27, $0x1;
	_ =	strace $0x80000049;
	[dreg:$0x1] =	wrdreg $0xFFFFFFFF  }
0x25: {  	s28 =	simm.s32 $_size_execute0_lowered;
	s3 =	sadd.s32 s3, s5;
	[dreg:$0x0] =	wrdreg $0x0  }
0x26: {  	s5 =	sshll.u32 s28, $0x1;
	[dreg:$0x2] =	wrdreg s3  }
0x27: {  	[dreg:$0x3] =	wrdreg s5  }
0x28: {  	[dreg:$0x4] =	wrdreg $0xC0  }
0x29: {  	_ =	task [dreg:s7], $0x5FFFF  }
0x2a: {  	[dreg:$0x1] =	wrdreg $0xFFFFFFFF  }
0x2b: {  	[dreg:$0x0] =	wrdreg $0x60  }
0x2c: {  	[dreg:$0x2] =	wrdreg s25  }
0x2d: {  	[dreg:$0x3] =	wrdreg s17  }
0x2e: {  	[dreg:$0x4] =	wrdreg $0x9  }
0x2f: {  	_ =	task.clear_ibuf [dreg:s7], $0x5FFFF;
	_ =	strace $0x90000049  }
0x30: {  	s29 =	simm.s32 $0x9;
	_ =	strace $0x8000004B  }
0x31: {  	_ =	swait.ge [sflag:s29], $0x1  }
0x32: {  	[sflag:s29] =	ssyncadd.s32 $0xFFFFFFFF  }
0x33: {  	_ =	strace $0x9000004B  }
0x34: {  	_ =	sfence  }
0x35: {  	s30 =	sld [smem:$0x0];
	_ =	sdelay $0x2  }
0x36: {  	s31 =	sshll.u32 s1, $0xD;
	s1 =	sshrl.u32 s1, $0x2  }
0x37: {  	s3 =	sand.u32 $0x4000, s31;
	s1 =	sadd.s32 s1, s30  }
0x38: {  	s0 =	sor.u32 s3, s0;
	s1 =	sshll.u32 s1, $0x11  }
0x39: {  	s0 =	sor.u32 s1, s0  }
0x3a: {  	s0 =	sadd.s32 $0x8F2B, s0  }
0x3b: {  	[sflag:s0] =	ssyncadd.remote.s32 $0x1  }
0x3c: {  	_ =	sfence.sel $0xFFFF  }
0x3d: {  	[dreg:$0x0] =	wrdreg $0xFFFFFFFF;
	(pc) =	sbr.abs _section_cstart, $3  }
0x3e: {  	[dreg:$0x1] =	wrdreg $0xFFFFFFFF  }
0x3f: {  	_ =	task.clear_ibuf [dreg:s7], $0x2FFFF;
	_ =	strace $0x9FFFFFFF  }
0x40: {  	(tm) =	ssettm $0x7FFFFFFF  }
0x41: {  	_ =	shalt  }
tec
execute0_lowered:
.L_overlay_start_1:
0x0: {  	(tag) =	ssettag $0x1  }
0x1: {  	s4 =	rddreg [dreg:$0x0];
	s0 =	srdreg.scid  }
0x2: {  	s2 =	rddreg [dreg:$0x1];
	s1 =	stileid.u32  }
0x3: {  	s6 =	simm.s32 $0x1;
	s10 =	simm.s32 $0x2;
	s14 =	simm.s32 $0x0  }
0x4: {  	s16 =	simm.s32 $0x0;
	s11 =	simm.s32 $0x0;
	s12 =	simm.s32 $0x0  }
0x5: {  	s15 =	simm.s32 $0x0;
	s3 =	sshll.u32 s0, $0x4;
	s0 =	rddreg [dreg:$0x2]  }
0x6: {  	s5 =	sshll.u32 s1, $0x7;
	_ =	strace $0x8000004A;
	s3 =	sand.u32 $0x10, s3  }
0x7: {  	[sflag:s6] =	ssyncpa.u1 $0x0;
	s8 =	sor.u32 s1, s3;
	s3 =	sand.u32 $0x380, s5  }
0x8: {  	s4 =	sadd.s32 $0x271400, s4;
	[sflag:s10] =	ssyncpa.u1 $0x0;
	s7 =	ssub.s32 $0x27100, s3  }
.Ltmp0:
0x9: {  	s10 =	simm.s32 $0x138800;
	s9 =	sand.u32 $0x380, s7;
	(pc) =	sbr.rel .LBB1_1-.Ltmp0, $4  }
0xa: {  	s31 =	sshll.u32 s8, $0x4;
	p0 =	sne.s32 s9, $0x0;
	s9 =	simm.s32 $0x1  }
0xb: {  	s8 =	sshll.u32 s8, $0x7;
	s7 =	sshrl.u32 s7, $0xA;
	s9 =	simm.s32 @!p0 $0x0  }
0xc: {  	s13 =	smov.u32 s3;
	s5 =	sand.u32 $0x180, s31;
	s7 =	sadd.s32 s9, s7  }
0xd: {  	s8 =	sand.u32 $0xC00, s8;
	p0 =	por $0x0, $0x0;
	s9 =	sadd.s32 $0x1, s7  }
.LBB1_4:
0xe: {  	s22 =	sshrl.u32 s11, $0x3  }
0xf: {  	s23 =	sshll.u32 s12, $0x3;
	s22 =	smul.u32 $0x138800, s22  }
0x10: {  	s23 =	sand.u32 $0xFFFFFC00, s23  }
0x11: {  	s24 =	sand.u32 $0x7F, s12;
	s22 =	sadd.s32 s23, s22  }
0x12: {  	s23 =	sor.u32 s24, s22;
	s22 =	smulhi.u32 $0xD1B71759, s22  }
0x13: {  	v5 =	vld [tilespmem:s18+$0xFFFFFFD0];
	[tilespmem:s20+$0x2040 ss:$0x81] =	vst.msk $0xffff, v4;
	p1 =	sgt.s32 s12, $0x27080;
	s25 =	smov.u32 s12;
	s26 =	sshra.s32 s12, $0x1F  }
0x14: {  	v58 =	vld [tilespmem:s18+$0xFFFFFFE0];
	[tilespmem:s20+$0x2850 ss:$0x81] =	vst.msk $0xffff, v3;
	s25 =	simm.s32 @!p1 $0x27080;
	s26 =	sand.u32 s26, s12;
	s22 =	sshrl.u32 s22, $0x11  }
0x15: {  	s21 =	sshra.s32 s21, $0x2;
	v59 =	vld [tilespmem:s18+$0xFFFFFFF0];
	[tilespmem:s20+$0x3060 ss:$0x81] =	vst.msk $0xffff, v2;
	s29 =	ssub.s32 s25, s26;
	s27 =	smul.u32 $0x8889, s22  }
0x16: {  	[tilespmem:s20+$0x0 ss:$0x81] =	vst.msk $0xffff, v0;
	v60 =	vld [tilespmem:s18+$0x0];
	s19 =	sadd.s32 s21, s19;
	s25 =	sadd.s32 $0xFFFD8F80, s29;
	s24 =	smulhi.u32 $0xD1B71759, s23  }
0x17: {  	v61 =	vld [tilespmem:s18+$0x10];
	p1 =	sgt.s32 s11, $0x160;
	[tilespmem:s19+$0x3870 ss:$0x81] =	vst.msk $0xffff, v1;
	p2 =	sgt.s32 s25, $0x7F;
	s31 =	sshrl.u32 s27, $0x18  }
0x18: {  	v62 =	vld [tilespmem:s18+$0x20];
	s25 =	smov.u32 s11;
	[tilespmem:s19+$0x810 ss:$0x81] =	vst.msk $0xffff, v5;
	s30 =	sshrl.u32 s24, $0x11;
	s24 =	smul.u32 $0x1E0, s31  }
0x19: {  	v63 =	vld [tilespmem:s18+$0xFFFFFFC0];
	s20 =	ssub.s32 $0x27100, s29;
	s25 =	simm.s32 @!p1 $0x160;
	[tilespmem:s19+$0x1020 ss:$0x81] =	vst.msk $0xffff, v58;
	s26 =	smul.u32 $0x27100, s30  }
0x1a: {  	[tilespmem:s19+$0x1830 ss:$0x81] =	vst.msk $0xffff, v59;
	s20 =	simm.s32 @p2 $0x0;
	s28 =	ssub.s32 $0x1E0, s25;
	s27 =	ssub.s32 s22, s24  }
0x1b: {  	[tilespmem:s19+$0x2040 ss:$0x81] =	vst.msk $0xffff, v60;
	s20 =	smul.u32 s28, s20;
	s18 =	ssub.s32 s23, s26;
	s21 =	sand.u32 $0xFFFF, s27  }
0x1c: {  	[tilespmem:s19+$0x2850 ss:$0x81] =	vst.msk $0xffff, v61;
	s29 =	sshrl.u32 s18, $0x3;
	s18 =	sand.u32 $0x7, s18;
	s21 =	smul.u32 $0x4E20, s21  }
0x1d: {  	[tilespmem:s19+$0x3060 ss:$0x81] =	vst.msk $0xffff, v62;
	s22 =	sadd.s32 s2, s29;
	s18 =	sshll.u32 s18, $0x12  }
0x1e: {  	[tilespmem:s19+$0x0 ss:$0x81] =	vst.msk $0xffff, v63;
	s30 =	sand.u32 $0x3FFFFFE0, s20;
	s18 =	sor.u32 $0x400, s18;
	s31 =	sadd.s32 s21, s22  }
0x1f: {  	[hbm4b:s31+s18] =	stream.strided.scatter [tilespmem:s17], [sflag:$0x2], s30, s10, s18, $0x20;
	[tilespmem:$0x10100] =	vst v63  }
.LBB1_5:
0x20: {  	p1 =	slt.u32 s15, $0x2  }
0x21: {  	p2 =	sgt.s32 @!p1 s16, $0x27080  }
0x22: {  	s17 =	smov.u32 s16;
	s18 =	sshra.s32 @!p1 s16, $0x1F;
	p2 =	por !p2, p1  }
0x23: {  	s16 =	sand.u32 @!p1 s18, s16;
	s17 =	simm.s32 @p2 $0x27080  }
0x24: {  	s16 =	ssub.s32 @!p1 s17, s16  }
0x25: {  	p2 =	sgt.s32 @!p1 s14, $0x160;
	s17 =	sadd.s32 @!p1 $0xFFFD8F80, s16  }
0x26: {  	s18 =	sadd.s32 $0x400, s13;
	p2 =	por !p2, p1;
	p3 =	sgt.s32 @!p1 s17, $0x7F  }
0x27: {  	s14 =	simm.s32 @p2 $0x160;
	s16 =	ssub.s32 @!p1 $0x27100, s16;
	p2 =	por !p3, p1  }
0x28: {  	s14 =	ssub.s32 @!p1 $0x1E0, s14;
	s16 =	simm.s32 @!p2 $0x0;
	p2 =	sgt.s32 s18, $0x270FF  }
0x29: {  	s14 =	smul.u32 @!p1 s14, s16;
	s18 =	smov.u32 @p2 s3;
	p2 =	sne.s32 s15, s9  }
.Ltmp1:
0x2a: {  	s20 =	sadd.s32 $0x1, s15;
	p0 =	por !p0, !p0;
	(pc) =	sbr.rel @!p2 .LBB1_6-.Ltmp1, $4  }
0x2b: {  	s17 =	simm.s32 @!p1 $0x2;
	s16 =	smov.u32 s12;
	s14 =	sand.u32 @!p1 $0x3FFFFFFF, s14  }
0x2c: {  	s12 =	smov.u32 s13;
	s15 =	smov.u32 s20;
	_ =	swait.ge @!p1 [sflag:s17], s14  }
0x2d: {  	s13 =	smov.u32 s18;
	s19 =	ssub.s32 @!p1 $0x0, s14;
	[sflag:s17] =	ssyncset.done @!p1 $0x0  }
0x2e: {  	s14 =	smov.u32 s11;
	s11 =	smov.u32 s5;
	[sflag:s17] =	ssyncadd.s32 @!p1 s19  }
.LBB1_1:
0x2f: {  	p1 =	sge.u32 s15, s7  }
0x30: {  	s17 =	sshll.u32 @!p1 s13, $0x9  }
0x31: {  	s18 =	sshll.u32 @!p1 s13, $0x7;
	s17 =	sand.u32 @!p1 $0xFFFFF000, s17  }
0x32: {  	s18 =	sand.u32 @!p1 $0x200, s18;
	s17 =	sor.u32 @!p1 s8, s17  }
0x33: {  	s17 =	sor.u32 @!p1 s18, s17  }
0x34: {  	s17 =	sshrl.u32 @!p1 s17, $0x9  }
0x35: {  	s18 =	smulhi.u32 @!p1 $0x1A36E3, s17;
	_ =	sdelay $0x1  }
0x36: {  	s18 =	sshrl.u32 @!p1 s18, $0x6  }
0x37: {  	s18 =	smul.u32 @!p1 $0x27100, s18  }
0x38: {  	s31 =	sadd.s32 $0xFFFFFFFF, s15;
	s19 =	sxor.u32 @!p1 $0xFFFFFFFF, s15;
	s20 =	sshll.u32 @!p1 s13, $0x4  }
0x39: {  	s19 =	sshll.u32 @!p1 s19, $0xE;
	s17 =	ssub.s32 @!p1 s17, s18;
	s18 =	sand.u32 @!p1 $0x30, s20  }
0x3a: {  	s19 =	sand.u32 @!p1 $0x4000, s19;
	s17 =	sshll.u32 @!p1 s17, $0x6;
	s18 =	sadd.s32 @!p1 s4, s18  }
0x3b: {  	s20 =	simm.s32 @!p1 $0x1000;
	s17 =	sadd.s32 @!p1 s17, s18;
	s18 =	simm.s32 @!p1 $0x400  }
0x3c: {  	[tilespmem:s19], [sflag:$0x1] =	stream.strided.gather @!p1 [hbm4b:s17+s18], $0x4000, s20, s18, $0x38;
	[tilespmem:$0x10100] =	vst v63  }
0x3d: {  	p1 =	sge.u32 s31, s7  }
.Ltmp2:
0x3e: {  	_ = 	snop;
	(pc) =	sbr.rel @p1 .LBB1_5-.Ltmp2, $1  }
0x3f: {  	_ =	sdelay $0x3  }
0x40: {  	s17 =	simm.s32 $0x1  }
0x41: {  	_ =	swait.ge [sflag:s6], $0x4000;
	s17 =	simm.s32 @!p0 $0x0  }
0x42: {  	[sflag:s6] =	ssyncset.done $0x0;
	s18 =	sshll.u32 s17, $0xE  }
0x43: {  	[sflag:s6] =	ssyncadd.s32 $0xFFFFC000;
	s18 =	sor.u32 $0x40, s18  }
0x44: {  	s17 =	smul.u32 $0x10200, s17;
	v0 =	vld [tilespmem:s18+$0x30]  }
0x45: {  	v1 =	vld [tilespmem:s18+$0xFFFFFFD0]  }
0x46: {  	s17 =	sshrl.u32 s17, $0x2;
	v5 =	vld [tilespmem:s18+$0xFFFFFFE0]  }
0x47: {  	v6 =	vld [tilespmem:s18+$0xFFFFFFF0];
	s19 =	sor.u32 $0x8000, s17  }
0x48: {  	s31 =	sand.u32 $0x1, s15;
	v4 =	vld [tilespmem:s18+$0x0];
	s20 =	sadd.s32 $0x0, s19  }
0x49: {  	v3 =	vld [tilespmem:s18+$0x10];
	s17 =	smul.u32 $0x10200, s31;
	[tilespmem:s20+$0x3870 ss:$0x81] =	vst.msk $0xffff, v0  }
0x4a: {  	v2 =	vld [tilespmem:s18+$0x20];
	[tilespmem:s20+$0x810 ss:$0x81] =	vst.msk $0xffff, v1  }
0x4b: {  	s17 =	sshrl.u32 s17, $0x2;
	v0 =	vld [tilespmem:s18+$0xFFFFFFC0];
	[tilespmem:s20+$0x1020 ss:$0x81] =	vst.msk $0xffff, v5;
	s18 =	sadd.s32 $0x80, s18  }
0x4c: {  	s21 =	simm.s32 $0x4;
	s22 =	simm.s32 $0x8;
	s17 =	sor.u32 $0x8000, s17;
	[tilespmem:s20+$0x1830 ss:$0x81] =	vst.msk $0xffff, v6;
	v1 =	vld [tilespmem:s18+$0x30]  }
.LBB1_3:
0x4d: {  	p1 =	sne.s32 s22, $0x1FC;
	v5 =	vld [tilespmem:s18+$0xFFFFFFD0];
	[tilespmem:s20+$0x2040 ss:$0x81] =	vst.msk $0xffff, v4  }
0x4e: {  	v6 =	vld [tilespmem:s18+$0xFFFFFFE0];
	[tilespmem:s20+$0x2850 ss:$0x81] =	vst.msk $0xffff, v3  }
0x4f: {  	s23 =	sshra.s32 s21, $0x2;
	s21 =	smov.u32 s22;
	v7 =	vld [tilespmem:s18+$0xFFFFFFF0];
	[tilespmem:s20+$0x3060 ss:$0x81] =	vst.msk $0xffff, v2  }
.Ltmp3:
0x50: {  	v4 =	vld [tilespmem:s18+$0x0];
	[tilespmem:s20+$0x0 ss:$0x81] =	vst.msk $0xffff, v0;
	s20 =	sadd.s32 s23, s19;
	(pc) =	sbr.rel @p1 .LBB1_3-.Ltmp3, $4  }
0x51: {  	v3 =	vld [tilespmem:s18+$0x10];
	[tilespmem:s20+$0x3870 ss:$0x81] =	vst.msk $0xffff, v1  }
0x52: {  	[tilespmem:s20+$0x810 ss:$0x81] =	vst.msk $0xffff, v5;
	v2 =	vld [tilespmem:s18+$0x20]  }
0x53: {  	v0 =	vld [tilespmem:s18+$0xFFFFFFC0];
	[tilespmem:s20+$0x1020 ss:$0x81] =	vst.msk $0xffff, v6;
	s18 =	sadd.s32 $0x80, s18  }
0x54: {  	s22 =	sadd.s32 $0x4, s22;
	v1 =	vld [tilespmem:s18+$0x30];
	[tilespmem:s20+$0x1830 ss:$0x81] =	vst.msk $0xffff, v7  }
.Ltmp4:
0x55: {  	_ = 	snop;
	(pc) =	sbr.rel .LBB1_4-.Ltmp4, $1  }
0x56: {  	_ =	sdelay $0x3  }
.LBB1_6:
0x57: {  	_ =	sfence.sel $0x180000  }
0x58: {  	s2 =	simm.s32 $0x1;
	[bflag:$0x0] =	sbarrier.arrive $0xFFFF  }
0x59: {  	s31 =	simm.s32 $0x2;
	[sflag:s2] =	ssyncpa.u1 $0x1  }
0x5a: {  	[sflag:s31] =	ssyncpa.u1 $0x1  }
0x5b: {  	p0 =	sne.s32 s1, $0x0;
	_ =	strace $0x9000004A  }
0x5c: {  	s0 =	sadd.s32 @!p0 $0x100000, s0;
	[bflag:$0x2] =	sbarrier.arrive $0xFFFF  }
0x5d: {  	[sflag:s0] =	ssyncadd.tile.s32 @!p0 $0x1;
	_ =	shalt  }
.Lfunc_end1:
_tile_overlayer_lowered:
.L_overlay_start_2:
0x5e: {  	(tag) =	ssettag $0x2  }
0x5f: {  	s0 =	rddreg [dreg:$0x0];
	s2 =	stileid.u32  }
0x60: {  	s1 =	rddreg [dreg:$0x1];
	p0 =	sne.s32 s2, $0x0  }
0x61: {  	s3 =	rddreg [dreg:$0x2];
	[bflag:$0x3] =	sbarrier.arrive $0xFFFF;
	s2 =	simm.s32 @!p0 $0x1C01  }
0x62: {  	[timem:s3], [sflag:s2] =	dma.local @!p0 [hbm:s0], s1  }
0x63: {  	s0 =	simm.s32 @!p0 $0x1  }
0x64: {  	_ =	swait.ge @!p0 [sflag:s0], s1  }
0x65: {  	s1 =	ssub.s32 @!p0 $0x0, s1;
	[sflag:s0] =	ssyncset.done @!p0 $0x0  }
0x66: {  	[sflag:s0] =	ssyncadd.s32 @!p0 s1  }
0x67: {  	[bflag:$0x3] =	sbarrier.arrive $0xFFFF  }
0x68: {  	_ =	shalt  }

</sc_bundles>
